<compile_context>
chip_gen: v7x
topology: tpu7x:2x2x1
jax: 0.10.2.dev20260603
libtpu: 0.0.44.dev20260713+nightly
codegen_flags: <defaults>
</compile_context>

<pallas_src>
import jax
import jax.numpy as jnp
from jax import lax
from jax.experimental import pallas as pl
from jax.experimental.pallas import tpu as pltpu
from jax.experimental.pallas import tpu_sc as plsc

B = 16384
D_MODEL = 64
STRIDE1 = 1000.0

NC = 2
NS = 16
L = 16
NW = NC * NS
B_PER_W = B // NW
GROUPS = B_PER_W // L
CHUNK = 64
N_CHUNKS = B_PER_W // CHUNK


def _sc_body(c0_hbm, c1_hbm, table_hbm, out_hbm,
             c0_v, c1_v, iq_v, rows_v, sem):
    wid = lax.axis_index("s") * NC + lax.axis_index("c")
    base = wid * B_PER_W

    pltpu.sync_copy(c0_hbm.at[pl.ds(base, B_PER_W)], c0_v)
    pltpu.sync_copy(c1_hbm.at[pl.ds(base, B_PER_W)], c1_v)

    for g in range(GROUPS):
        v0 = c0_v[pl.ds(g * L, L)]
        v1 = c1_v[pl.ds(g * L, L)]
        iq_v[pl.ds(g * L, L)] = (v0 + STRIDE1 * v1).astype(jnp.int32)

    def fire(g, _):
        vec = iq_v[pl.ds(g * L, L)]
        for j in range(L):
            pltpu.async_copy(table_hbm.at[vec[j]], rows_v.at[g * L + j], sem)
        return 0

    lax.fori_loop(0, GROUPS, fire, 0)
    pltpu.make_async_copy(
        out_hbm.at[pl.ds(base, B_PER_W)],
        rows_v,
        sem,
    ).wait()

    pltpu.sync_copy(rows_v, out_hbm.at[pl.ds(base, B_PER_W)])


@jax.jit
def kernel(x_entity0, embeddings):
    mesh = plsc.VectorSubcoreMesh(core_axis_name="c", subcore_axis_name="s")
    run = pl.kernel(
        _sc_body,
        out_type=jax.ShapeDtypeStruct((B, D_MODEL), jnp.float32),
        mesh=mesh,
        scratch_types=[
            pltpu.VMEM((B_PER_W,), jnp.float32),
            pltpu.VMEM((B_PER_W,), jnp.float32),
            pltpu.VMEM((B_PER_W + L,), jnp.int32),
            pltpu.VMEM((B_PER_W, D_MODEL), jnp.float32),
            pltpu.SemaphoreType.DMA,
        ],
    )
    return run(x_entity0[:, 0], x_entity0[:, 1], embeddings)

# --- scband reference (transcript-rebuilt; emitter-appended) ---
"""Pipeline reference for scband-absolute-positional-encoding-13683765805812 (READ-ONLY COPY).

The authoritative reference and input builder live on the scoring server;
editing this copy changes nothing except your own understanding.
"""

import jax, jax.numpy as jnp
import numpy as np

B = 16384
N_FEAT = 8
EXTENT = 1000  # each of the 2 positional axes spans [0, 1000)
POSITIONS = EXTENT * EXTENT  # 1_000_000 rows in the embedding table
D_MODEL = 64
POS_FEATURE_IDX = jnp.array([0, 1], dtype=jnp.int32)  # position_feature_indices['entity0']
STRIDES = jnp.array([[1.0, float(EXTENT)]], dtype=jnp.float32)  # strides: [1, 1000]


def setup_inputs(seed: int = 0) -> dict:
    key = jax.random.key(seed)
    k1, k2, k3 = jax.random.split(key, 3)
    # First two columns are integer-valued positions in [0, EXTENT); rest are generic features.
    pos_cols = jax.random.randint(k1, (B, 2), 0, EXTENT).astype(jnp.float32)
    other_cols = jax.random.normal(k2, (B, N_FEAT - 2), dtype=jnp.float32)
    x_entity0 = jnp.concatenate([pos_cols, other_cols], axis=1)
    # Learned positional embedding table (nn.Embedding(positions, d_model)).
    embeddings = jax.random.normal(k3, (POSITIONS, D_MODEL), dtype=jnp.float32) * 0.02
    return {"x_entity0": x_entity0, "embeddings": embeddings}


def reference(x_entity0, embeddings):
    # forward for the single entity 'entity0' in the input dict
    positions = x_entity0[:, POS_FEATURE_IDX]                      # [B, 2]
    indices = jnp.tensordot(positions, STRIDES, axes=([1], [1]))   # [B, 1]
    indices = indices.astype(jnp.int32)                            # .long() in torch
    out = jnp.take(embeddings, indices, axis=0)                    # [B, 1, d_model]
    out = jnp.squeeze(out, axis=1)                                 # [B, d_model]
    return out

if __name__ == "__main__":
    import jax
    _d = setup_inputs()
    print(jax.jit(kernel)(*tuple(_d.values())))

</pallas_src>

<mosaic_0001>
#map = affine_map<(d0, d1) -> (0)>
#map1 = affine_map<(d0, d1) -> (0, 0)>
module attributes {stable_mosaic.version = 14 : i64} {
  func.func @_sc_body(%arg0: i32, %arg1: i32, %arg2: memref<16384xf32, #tpu.memory_space<hbm>>, %arg3: memref<16384xf32, #tpu.memory_space<hbm>>, %arg4: memref<1000000x64xf32, #tpu.memory_space<hbm>>, %arg5: memref<16384x64xf32, #tpu.memory_space<hbm>>, %arg6: memref<512xf32, #tpu.memory_space<vmem>>, %arg7: memref<512xf32, #tpu.memory_space<vmem>>, %arg8: memref<528xi32, #tpu.memory_space<vmem>>, %arg9: memref<512x64xf32, #tpu.memory_space<vmem>>, %arg10: memref<!tpu.dma_semaphore, #tpu.memory_space<semaphore_mem>>) attributes {dimension_semantics = [#tpu.dimension_semantics<core_parallel>, #tpu.dimension_semantics<subcore_parallel>], iteration_bounds = array<i64: 2, 16>, scalar_prefetch = 0 : i64, scratch_operands = 5 : i64, tpu.core_type = #tpu.core_type<sc_vector_subcore>, window_params = [{transform_indices = #map}, {transform_indices = #map}, {transform_indices = #map1}, {transform_indices = #map1}]} {
    %mul3A = arith.constant 2 : i32
    %mul3A_0 = arith.muli %arg1, %mul3A : i32
    %add3A = arith.addi %mul3A_0, %arg0 : i32
    %mul3A_1 = arith.constant 512 : i32
    %mul3A_2 = arith.muli %add3A, %mul3A_1 : i32
    "tpu.region"() ({
      %run_scoped3A = tpu.sem_alloc : memref<!tpu.dma_semaphore, #tpu.memory_space<semaphore_mem>>
      %dma_start3A = tpu.memref_slice %arg2[%mul3A_2] : memref<16384xf32, #tpu.memory_space<hbm>> -> memref<512xf32, #tpu.memory_space<hbm>>
      %dma_start3A_489 = tpu.memref_slice %arg2[%mul3A_2] : memref<16384xf32, #tpu.memory_space<hbm>> -> memref<512xf32, #tpu.memory_space<hbm>>
      tpu.enqueue_dma source(%dma_start3A_489 : memref<512xf32, #tpu.memory_space<hbm>>) target(%arg6 : memref<512xf32, #tpu.memory_space<vmem>>) target_semaphore(%run_scoped3A : memref<!tpu.dma_semaphore, #tpu.memory_space<semaphore_mem>>)
      %dma_wait3A_490 = tpu.memref_slice %arg2[%mul3A_2] : memref<16384xf32, #tpu.memory_space<hbm>> -> memref<512xf32, #tpu.memory_space<hbm>>
      %dma_wait3A_491 = tpu.memref_slice %arg2[%mul3A_2] : memref<16384xf32, #tpu.memory_space<hbm>> -> memref<512xf32, #tpu.memory_space<hbm>>
      tpu.wait_dma2 semaphore(%run_scoped3A : memref<!tpu.dma_semaphore, #tpu.memory_space<semaphore_mem>>) src(%dma_wait3A_491 : memref<512xf32, #tpu.memory_space<hbm>>) dst(%arg6 : memref<512xf32, #tpu.memory_space<vmem>>)
      tpu.yield
    }) : () -> ()
    "tpu.region"() ({
      %run_scoped3A = tpu.sem_alloc : memref<!tpu.dma_semaphore, #tpu.memory_space<semaphore_mem>>
      %dma_start3A = tpu.memref_slice %arg3[%mul3A_2] : memref<16384xf32, #tpu.memory_space<hbm>> -> memref<512xf32, #tpu.memory_space<hbm>>
      %dma_start3A_489 = tpu.memref_slice %arg3[%mul3A_2] : memref<16384xf32, #tpu.memory_space<hbm>> -> memref<512xf32, #tpu.memory_space<hbm>>
      tpu.enqueue_dma source(%dma_start3A_489 : memref<512xf32, #tpu.memory_space<hbm>>) target(%arg7 : memref<512xf32, #tpu.memory_space<vmem>>) target_semaphore(%run_scoped3A : memref<!tpu.dma_semaphore, #tpu.memory_space<semaphore_mem>>)
      %dma_wait3A_490 = tpu.memref_slice %arg3[%mul3A_2] : memref<16384xf32, #tpu.memory_space<hbm>> -> memref<512xf32, #tpu.memory_space<hbm>>
      %dma_wait3A_491 = tpu.memref_slice %arg3[%mul3A_2] : memref<16384xf32, #tpu.memory_space<hbm>> -> memref<512xf32, #tpu.memory_space<hbm>>
      tpu.wait_dma2 semaphore(%run_scoped3A : memref<!tpu.dma_semaphore, #tpu.memory_space<semaphore_mem>>) src(%dma_wait3A_491 : memref<512xf32, #tpu.memory_space<hbm>>) dst(%arg7 : memref<512xf32, #tpu.memory_space<vmem>>)
      tpu.yield
    }) : () -> ()
    %get3A = arith.constant 0 : index
    %get3A_3 = tpu.vector_load %arg6[%get3A] {strides = array<i32>} : memref<512xf32, #tpu.memory_space<vmem>>, vector<16xf32>,
    %get3A_4 = vector.shape_cast %get3A_3 : vector<16xf32> to vector<16xf32>
    %get3A_5 = arith.constant 0 : index
    %get3A_6 = tpu.vector_load %arg7[%get3A_5] {strides = array<i32>} : memref<512xf32, #tpu.memory_space<vmem>>, vector<16xf32>,
    %get3A_7 = vector.shape_cast %get3A_6 : vector<16xf32> to vector<16xf32>
    %mul3A_8 = arith.constant 1.000000e+03 : f32
    %mul3A_9 = vector.broadcast %mul3A_8 : f32 to vector<16xf32>
    %mul3A_10 = arith.mulf %mul3A_9, %get3A_7 : vector<16xf32>
    %add3A_11 = arith.addf %get3A_4, %mul3A_10 : vector<16xf32>
    %convert_element_type3A = arith.fptosi %add3A_11 : vector<16xf32> to vector<16xi32>
    %swap3A = arith.constant 0 : index
    %swap3A_12 = tpu.vector_load %arg8[%swap3A] {strides = array<i32>} : memref<528xi32, #tpu.memory_space<vmem>>, vector<16xi32>,
    %swap3A_13 = vector.shape_cast %swap3A_12 : vector<16xi32> to vector<16xi32>
    %swap3A_14 = vector.shape_cast %convert_element_type3A : vector<16xi32> to vector<16xi32>
    tpu.vector_store %arg8[%swap3A], %swap3A_14 {strides = array<i32>} : memref<528xi32, #tpu.memory_space<vmem>>, vector<16xi32>,
    %get3A_15 = arith.constant 16 : index
    %get3A_16 = tpu.vector_load %arg6[%get3A_15] {strides = array<i32>} : memref<512xf32, #tpu.memory_space<vmem>>, vector<16xf32>,
    %get3A_17 = vector.shape_cast %get3A_16 : vector<16xf32> to vector<16xf32>
    %get3A_18 = arith.constant 16 : index
    %get3A_19 = tpu.vector_load %arg7[%get3A_18] {strides = array<i32>} : memref<512xf32, #tpu.memory_space<vmem>>, vector<16xf32>,
    %get3A_20 = vector.shape_cast %get3A_19 : vector<16xf32> to vector<16xf32>
    %mul3A_21 = arith.constant 1.000000e+03 : f32
    %mul3A_22 = vector.broadcast %mul3A_21 : f32 to vector<16xf32>
    %mul3A_23 = arith.mulf %mul3A_22, %get3A_20 : vector<16xf32>
    %add3A_24 = arith.addf %get3A_17, %mul3A_23 : vector<16xf32>
    %convert_element_type3A_25 = arith.fptosi %add3A_24 : vector<16xf32> to vector<16xi32>
    %swap3A_26 = arith.constant 16 : index
    %swap3A_27 = tpu.vector_load %arg8[%swap3A_26] {strides = array<i32>} : memref<528xi32, #tpu.memory_space<vmem>>, vector<16xi32>,
    %swap3A_28 = vector.shape_cast %swap3A_27 : vector<16xi32> to vector<16xi32>
    %swap3A_29 = vector.shape_cast %convert_element_type3A_25 : vector<16xi32> to vector<16xi32>
    tpu.vector_store %arg8[%swap3A_26], %swap3A_29 {strides = array<i32>} : memref<528xi32, #tpu.memory_space<vmem>>, vector<16xi32>,
    %get3A_30 = arith.constant 32 : index
    %get3A_31 = tpu.vector_load %arg6[%get3A_30] {strides = array<i32>} : memref<512xf32, #tpu.memory_space<vmem>>, vector<16xf32>,
    %get3A_32 = vector.shape_cast %get3A_31 : vector<16xf32> to vector<16xf32>
    %get3A_33 = arith.constant 32 : index
    %get3A_34 = tpu.vector_load %arg7[%get3A_33] {strides = array<i32>} : memref<512xf32, #tpu.memory_space<vmem>>, vector<16xf32>,
    %get3A_35 = vector.shape_cast %get3A_34 : vector<16xf32> to vector<16xf32>
    %mul3A_36 = arith.constant 1.000000e+03 : f32
    %mul3A_37 = vector.broadcast %mul3A_36 : f32 to vector<16xf32>
    %mul3A_38 = arith.mulf %mul3A_37, %get3A_35 : vector<16xf32>
    %add3A_39 = arith.addf %get3A_32, %mul3A_38 : vector<16xf32>
    %convert_element_type3A_40 = arith.fptosi %add3A_39 : vector<16xf32> to vector<16xi32>
    %swap3A_41 = arith.constant 32 : index
    %swap3A_42 = tpu.vector_load %arg8[%swap3A_41] {strides = array<i32>} : memref<528xi32, #tpu.memory_space<vmem>>, vector<16xi32>,
    %swap3A_43 = vector.shape_cast %swap3A_42 : vector<16xi32> to vector<16xi32>
    %swap3A_44 = vector.shape_cast %convert_element_type3A_40 : vector<16xi32> to vector<16xi32>
    tpu.vector_store %arg8[%swap3A_41], %swap3A_44 {strides = array<i32>} : memref<528xi32, #tpu.memory_space<vmem>>, vector<16xi32>,
    %get3A_45 = arith.constant 48 : index
    %get3A_46 = tpu.vector_load %arg6[%get3A_45] {strides = array<i32>} : memref<512xf32, #tpu.memory_space<vmem>>, vector<16xf32>,
    %get3A_47 = vector.shape_cast %get3A_46 : vector<16xf32> to vector<16xf32>
    %get3A_48 = arith.constant 48 : index
    %get3A_49 = tpu.vector_load %arg7[%get3A_48] {strides = array<i32>} : memref<512xf32, #tpu.memory_space<vmem>>, vector<16xf32>,
    %get3A_50 = vector.shape_cast %get3A_49 : vector<16xf32> to vector<16xf32>
    %mul3A_51 = arith.constant 1.000000e+03 : f32
    %mul3A_52 = vector.broadcast %mul3A_51 : f32 to vector<16xf32>
    %mul3A_53 = arith.mulf %mul3A_52, %get3A_50 : vector<16xf32>
    %add3A_54 = arith.addf %get3A_47, %mul3A_53 : vector<16xf32>
    %convert_element_type3A_55 = arith.fptosi %add3A_54 : vector<16xf32> to vector<16xi32>
    %swap3A_56 = arith.constant 48 : index
    %swap3A_57 = tpu.vector_load %arg8[%swap3A_56] {strides = array<i32>} : memref<528xi32, #tpu.memory_space<vmem>>, vector<16xi32>,
    %swap3A_58 = vector.shape_cast %swap3A_57 : vector<16xi32> to vector<16xi32>
    %swap3A_59 = vector.shape_cast %convert_element_type3A_55 : vector<16xi32> to vector<16xi32>
    tpu.vector_store %arg8[%swap3A_56], %swap3A_59 {strides = array<i32>} : memref<528xi32, #tpu.memory_space<vmem>>, vector<16xi32>,
    %get3A_60 = arith.constant 64 : index
    %get3A_61 = tpu.vector_load %arg6[%get3A_60] {strides = array<i32>} : memref<512xf32, #tpu.memory_space<vmem>>, vector<16xf32>,
    %get3A_62 = vector.shape_cast %get3A_61 : vector<16xf32> to vector<16xf32>
    %get3A_63 = arith.constant 64 : index
    %get3A_64 = tpu.vector_load %arg7[%get3A_63] {strides = array<i32>} : memref<512xf32, #tpu.memory_space<vmem>>, vector<16xf32>,
    %get3A_65 = vector.shape_cast %get3A_64 : vector<16xf32> to vector<16xf32>
    %mul3A_66 = arith.constant 1.000000e+03 : f32
    %mul3A_67 = vector.broadcast %mul3A_66 : f32 to vector<16xf32>
    %mul3A_68 = arith.mulf %mul3A_67, %get3A_65 : vector<16xf32>
    %add3A_69 = arith.addf %get3A_62, %mul3A_68 : vector<16xf32>
    %convert_element_type3A_70 = arith.fptosi %add3A_69 : vector<16xf32> to vector<16xi32>
    %swap3A_71 = arith.constant 64 : index
    %swap3A_72 = tpu.vector_load %arg8[%swap3A_71] {strides = array<i32>} : memref<528xi32, #tpu.memory_space<vmem>>, vector<16xi32>,
    %swap3A_73 = vector.shape_cast %swap3A_72 : vector<16xi32> to vector<16xi32>
    %swap3A_74 = vector.shape_cast %convert_element_type3A_70 : vector<16xi32> to vector<16xi32>
    tpu.vector_store %arg8[%swap3A_71], %swap3A_74 {strides = array<i32>} : memref<528xi32, #tpu.memory_space<vmem>>, vector<16xi32>,
    %get3A_75 = arith.constant 80 : index
    %get3A_76 = tpu.vector_load %arg6[%get3A_75] {strides = array<i32>} : memref<512xf32, #tpu.memory_space<vmem>>, vector<16xf32>,
    %get3A_77 = vector.shape_cast %get3A_76 : vector<16xf32> to vector<16xf32>
    %get3A_78 = arith.constant 80 : index
    %get3A_79 = tpu.vector_load %arg7[%get3A_78] {strides = array<i32>} : memref<512xf32, #tpu.memory_space<vmem>>, vector<16xf32>,
    %get3A_80 = vector.shape_cast %get3A_79 : vector<16xf32> to vector<16xf32>
    %mul3A_81 = arith.constant 1.000000e+03 : f32
    %mul3A_82 = vector.broadcast %mul3A_81 : f32 to vector<16xf32>
    %mul3A_83 = arith.mulf %mul3A_82, %get3A_80 : vector<16xf32>
    %add3A_84 = arith.addf %get3A_77, %mul3A_83 : vector<16xf32>
    %convert_element_type3A_85 = arith.fptosi %add3A_84 : vector<16xf32> to vector<16xi32>
    %swap3A_86 = arith.constant 80 : index
    %swap3A_87 = tpu.vector_load %arg8[%swap3A_86] {strides = array<i32>} : memref<528xi32, #tpu.memory_space<vmem>>, vector<16xi32>,
    %swap3A_88 = vector.shape_cast %swap3A_87 : vector<16xi32> to vector<16xi32>
    %swap3A_89 = vector.shape_cast %convert_element_type3A_85 : vector<16xi32> to vector<16xi32>
    tpu.vector_store %arg8[%swap3A_86], %swap3A_89 {strides = array<i32>} : memref<528xi32, #tpu.memory_space<vmem>>, vector<16xi32>,
    %get3A_90 = arith.constant 96 : index
    %get3A_91 = tpu.vector_load %arg6[%get3A_90] {strides = array<i32>} : memref<512xf32, #tpu.memory_space<vmem>>, vector<16xf32>,
    %get3A_92 = vector.shape_cast %get3A_91 : vector<16xf32> to vector<16xf32>
    %get3A_93 = arith.constant 96 : index
    %get3A_94 = tpu.vector_load %arg7[%get3A_93] {strides = array<i32>} : memref<512xf32, #tpu.memory_space<vmem>>, vector<16xf32>,
    %get3A_95 = vector.shape_cast %get3A_94 : vector<16xf32> to vector<16xf32>
    %mul3A_96 = arith.constant 1.000000e+03 : f32
    %mul3A_97 = vector.broadcast %mul3A_96 : f32 to vector<16xf32>
    %mul3A_98 = arith.mulf %mul3A_97, %get3A_95 : vector<16xf32>
    %add3A_99 = arith.addf %get3A_92, %mul3A_98 : vector<16xf32>
    %convert_element_type3A_100 = arith.fptosi %add3A_99 : vector<16xf32> to vector<16xi32>
    %swap3A_101 = arith.constant 96 : index
    %swap3A_102 = tpu.vector_load %arg8[%swap3A_101] {strides = array<i32>} : memref<528xi32, #tpu.memory_space<vmem>>, vector<16xi32>,
    %swap3A_103 = vector.shape_cast %swap3A_102 : vector<16xi32> to vector<16xi32>
    %swap3A_104 = vector.shape_cast %convert_element_type3A_100 : vector<16xi32> to vector<16xi32>
    tpu.vector_store %arg8[%swap3A_101], %swap3A_104 {strides = array<i32>} : memref<528xi32, #tpu.memory_space<vmem>>, vector<16xi32>,
    %get3A_105 = arith.constant 112 : index
    %get3A_106 = tpu.vector_load %arg6[%get3A_105] {strides = array<i32>} : memref<512xf32, #tpu.memory_space<vmem>>, vector<16xf32>,
    %get3A_107 = vector.shape_cast %get3A_106 : vector<16xf32> to vector<16xf32>
    %get3A_108 = arith.constant 112 : index
    %get3A_109 = tpu.vector_load %arg7[%get3A_108] {strides = array<i32>} : memref<512xf32, #tpu.memory_space<vmem>>, vector<16xf32>,
    %get3A_110 = vector.shape_cast %get3A_109 : vector<16xf32> to vector<16xf32>
    %mul3A_111 = arith.constant 1.000000e+03 : f32
    %mul3A_112 = vector.broadcast %mul3A_111 : f32 to vector<16xf32>
    %mul3A_113 = arith.mulf %mul3A_112, %get3A_110 : vector<16xf32>
    %add3A_114 = arith.addf %get3A_107, %mul3A_113 : vector<16xf32>
    %convert_element_type3A_115 = arith.fptosi %add3A_114 : vector<16xf32> to vector<16xi32>
    %swap3A_116 = arith.constant 112 : index
    %swap3A_117 = tpu.vector_load %arg8[%swap3A_116] {strides = array<i32>} : memref<528xi32, #tpu.memory_space<vmem>>, vector<16xi32>,
    %swap3A_118 = vector.shape_cast %swap3A_117 : vector<16xi32> to vector<16xi32>
    %swap3A_119 = vector.shape_cast %convert_element_type3A_115 : vector<16xi32> to vector<16xi32>
    tpu.vector_store %arg8[%swap3A_116], %swap3A_119 {strides = array<i32>} : memref<528xi32, #tpu.memory_space<vmem>>, vector<16xi32>,
    %get3A_120 = arith.constant 128 : index
    %get3A_121 = tpu.vector_load %arg6[%get3A_120] {strides = array<i32>} : memref<512xf32, #tpu.memory_space<vmem>>, vector<16xf32>,
    %get3A_122 = vector.shape_cast %get3A_121 : vector<16xf32> to vector<16xf32>
    %get3A_123 = arith.constant 128 : index
    %get3A_124 = tpu.vector_load %arg7[%get3A_123] {strides = array<i32>} : memref<512xf32, #tpu.memory_space<vmem>>, vector<16xf32>,
    %get3A_125 = vector.shape_cast %get3A_124 : vector<16xf32> to vector<16xf32>
    %mul3A_126 = arith.constant 1.000000e+03 : f32
    %mul3A_127 = vector.broadcast %mul3A_126 : f32 to vector<16xf32>
    %mul3A_128 = arith.mulf %mul3A_127, %get3A_125 : vector<16xf32>
    %add3A_129 = arith.addf %get3A_122, %mul3A_128 : vector<16xf32>
    %convert_element_type3A_130 = arith.fptosi %add3A_129 : vector<16xf32> to vector<16xi32>
    %swap3A_131 = arith.constant 128 : index
    %swap3A_132 = tpu.vector_load %arg8[%swap3A_131] {strides = array<i32>} : memref<528xi32, #tpu.memory_space<vmem>>, vector<16xi32>,
    %swap3A_133 = vector.shape_cast %swap3A_132 : vector<16xi32> to vector<16xi32>
    %swap3A_134 = vector.shape_cast %convert_element_type3A_130 : vector<16xi32> to vector<16xi32>
    tpu.vector_store %arg8[%swap3A_131], %swap3A_134 {strides = array<i32>} : memref<528xi32, #tpu.memory_space<vmem>>, vector<16xi32>,
    %get3A_135 = arith.constant 144 : index
    %get3A_136 = tpu.vector_load %arg6[%get3A_135] {strides = array<i32>} : memref<512xf32, #tpu.memory_space<vmem>>, vector<16xf32>,
    %get3A_137 = vector.shape_cast %get3A_136 : vector<16xf32> to vector<16xf32>
    %get3A_138 = arith.constant 144 : index
    %get3A_139 = tpu.vector_load %arg7[%get3A_138] {strides = array<i32>} : memref<512xf32, #tpu.memory_space<vmem>>, vector<16xf32>,
    %get3A_140 = vector.shape_cast %get3A_139 : vector<16xf32> to vector<16xf32>
    %mul3A_141 = arith.constant 1.000000e+03 : f32
    %mul3A_142 = vector.broadcast %mul3A_141 : f32 to vector<16xf32>
    %mul3A_143 = arith.mulf %mul3A_142, %get3A_140 : vector<16xf32>
    %add3A_144 = arith.addf %get3A_137, %mul3A_143 : vector<16xf32>
    %convert_element_type3A_145 = arith.fptosi %add3A_144 : vector<16xf32> to vector<16xi32>
    %swap3A_146 = arith.constant 144 : index
    %swap3A_147 = tpu.vector_load %arg8[%swap3A_146] {strides = array<i32>} : memref<528xi32, #tpu.memory_space<vmem>>, vector<16xi32>,
    %swap3A_148 = vector.shape_cast %swap3A_147 : vector<16xi32> to vector<16xi32>
    %swap3A_149 = vector.shape_cast %convert_element_type3A_145 : vector<16xi32> to vector<16xi32>
    tpu.vector_store %arg8[%swap3A_146], %swap3A_149 {strides = array<i32>} : memref<528xi32, #tpu.memory_space<vmem>>, vector<16xi32>,
    %get3A_150 = arith.constant 160 : index
    %get3A_151 = tpu.vector_load %arg6[%get3A_150] {strides = array<i32>} : memref<512xf32, #tpu.memory_space<vmem>>, vector<16xf32>,
    %get3A_152 = vector.shape_cast %get3A_151 : vector<16xf32> to vector<16xf32>
    %get3A_153 = arith.constant 160 : index
    %get3A_154 = tpu.vector_load %arg7[%get3A_153] {strides = array<i32>} : memref<512xf32, #tpu.memory_space<vmem>>, vector<16xf32>,
    %get3A_155 = vector.shape_cast %get3A_154 : vector<16xf32> to vector<16xf32>
    %mul3A_156 = arith.constant 1.000000e+03 : f32
    %mul3A_157 = vector.broadcast %mul3A_156 : f32 to vector<16xf32>
    %mul3A_158 = arith.mulf %mul3A_157, %get3A_155 : vector<16xf32>
    %add3A_159 = arith.addf %get3A_152, %mul3A_158 : vector<16xf32>
    %convert_element_type3A_160 = arith.fptosi %add3A_159 : vector<16xf32> to vector<16xi32>
    %swap3A_161 = arith.constant 160 : index
    %swap3A_162 = tpu.vector_load %arg8[%swap3A_161] {strides = array<i32>} : memref<528xi32, #tpu.memory_space<vmem>>, vector<16xi32>,
    %swap3A_163 = vector.shape_cast %swap3A_162 : vector<16xi32> to vector<16xi32>
    %swap3A_164 = vector.shape_cast %convert_element_type3A_160 : vector<16xi32> to vector<16xi32>
    tpu.vector_store %arg8[%swap3A_161], %swap3A_164 {strides = array<i32>} : memref<528xi32, #tpu.memory_space<vmem>>, vector<16xi32>,
    %get3A_165 = arith.constant 176 : index
    %get3A_166 = tpu.vector_load %arg6[%get3A_165] {strides = array<i32>} : memref<512xf32, #tpu.memory_space<vmem>>, vector<16xf32>,
    %get3A_167 = vector.shape_cast %get3A_166 : vector<16xf32> to vector<16xf32>
    %get3A_168 = arith.constant 176 : index
    %get3A_169 = tpu.vector_load %arg7[%get3A_168] {strides = array<i32>} : memref<512xf32, #tpu.memory_space<vmem>>, vector<16xf32>,
    %get3A_170 = vector.shape_cast %get3A_169 : vector<16xf32> to vector<16xf32>
    %mul3A_171 = arith.constant 1.000000e+03 : f32
    %mul3A_172 = vector.broadcast %mul3A_171 : f32 to vector<16xf32>
    %mul3A_173 = arith.mulf %mul3A_172, %get3A_170 : vector<16xf32>
    %add3A_174 = arith.addf %get3A_167, %mul3A_173 : vector<16xf32>
    %convert_element_type3A_175 = arith.fptosi %add3A_174 : vector<16xf32> to vector<16xi32>
    %swap3A_176 = arith.constant 176 : index
    %swap3A_177 = tpu.vector_load %arg8[%swap3A_176] {strides = array<i32>} : memref<528xi32, #tpu.memory_space<vmem>>, vector<16xi32>,
    %swap3A_178 = vector.shape_cast %swap3A_177 : vector<16xi32> to vector<16xi32>
    %swap3A_179 = vector.shape_cast %convert_element_type3A_175 : vector<16xi32> to vector<16xi32>
    tpu.vector_store %arg8[%swap3A_176], %swap3A_179 {strides = array<i32>} : memref<528xi32, #tpu.memory_space<vmem>>, vector<16xi32>,
    %get3A_180 = arith.constant 192 : index
    %get3A_181 = tpu.vector_load %arg6[%get3A_180] {strides = array<i32>} : memref<512xf32, #tpu.memory_space<vmem>>, vector<16xf32>,
    %get3A_182 = vector.shape_cast %get3A_181 : vector<16xf32> to vector<16xf32>
    %get3A_183 = arith.constant 192 : index
    %get3A_184 = tpu.vector_load %arg7[%get3A_183] {strides = array<i32>} : memref<512xf32, #tpu.memory_space<vmem>>, vector<16xf32>,
    %get3A_185 = vector.shape_cast %get3A_184 : vector<16xf32> to vector<16xf32>
    %mul3A_186 = arith.constant 1.000000e+03 : f32
    %mul3A_187 = vector.broadcast %mul3A_186 : f32 to vector<16xf32>
    %mul3A_188 = arith.mulf %mul3A_187, %get3A_185 : vector<16xf32>
    %add3A_189 = arith.addf %get3A_182, %mul3A_188 : vector<16xf32>
    %convert_element_type3A_190 = arith.fptosi %add3A_189 : vector<16xf32> to vector<16xi32>
    %swap3A_191 = arith.constant 192 : index
    %swap3A_192 = tpu.vector_load %arg8[%swap3A_191] {strides = array<i32>} : memref<528xi32, #tpu.memory_space<vmem>>, vector<16xi32>,
    %swap3A_193 = vector.shape_cast %swap3A_192 : vector<16xi32> to vector<16xi32>
    %swap3A_194 = vector.shape_cast %convert_element_type3A_190 : vector<16xi32> to vector<16xi32>
    tpu.vector_store %arg8[%swap3A_191], %swap3A_194 {strides = array<i32>} : memref<528xi32, #tpu.memory_space<vmem>>, vector<16xi32>,
    %get3A_195 = arith.constant 208 : index
    %get3A_196 = tpu.vector_load %arg6[%get3A_195] {strides = array<i32>} : memref<512xf32, #tpu.memory_space<vmem>>, vector<16xf32>,
    %get3A_197 = vector.shape_cast %get3A_196 : vector<16xf32> to vector<16xf32>
    %get3A_198 = arith.constant 208 : index
    %get3A_199 = tpu.vector_load %arg7[%get3A_198] {strides = array<i32>} : memref<512xf32, #tpu.memory_space<vmem>>, vector<16xf32>,
    %get3A_200 = vector.shape_cast %get3A_199 : vector<16xf32> to vector<16xf32>
    %mul3A_201 = arith.constant 1.000000e+03 : f32
    %mul3A_202 = vector.broadcast %mul3A_201 : f32 to vector<16xf32>
    %mul3A_203 = arith.mulf %mul3A_202, %get3A_200 : vector<16xf32>
    %add3A_204 = arith.addf %get3A_197, %mul3A_203 : vector<16xf32>
    %convert_element_type3A_205 = arith.fptosi %add3A_204 : vector<16xf32> to vector<16xi32>
    %swap3A_206 = arith.constant 208 : index
    %swap3A_207 = tpu.vector_load %arg8[%swap3A_206] {strides = array<i32>} : memref<528xi32, #tpu.memory_space<vmem>>, vector<16xi32>,
    %swap3A_208 = vector.shape_cast %swap3A_207 : vector<16xi32> to vector<16xi32>
    %swap3A_209 = vector.shape_cast %convert_element_type3A_205 : vector<16xi32> to vector<16xi32>
    tpu.vector_store %arg8[%swap3A_206], %swap3A_209 {strides = array<i32>} : memref<528xi32, #tpu.memory_space<vmem>>, vector<16xi32>,
    %get3A_210 = arith.constant 224 : index
    %get3A_211 = tpu.vector_load %arg6[%get3A_210] {strides = array<i32>} : memref<512xf32, #tpu.memory_space<vmem>>, vector<16xf32>,
    %get3A_212 = vector.shape_cast %get3A_211 : vector<16xf32> to vector<16xf32>
    %get3A_213 = arith.constant 224 : index
    %get3A_214 = tpu.vector_load %arg7[%get3A_213] {strides = array<i32>} : memref<512xf32, #tpu.memory_space<vmem>>, vector<16xf32>,
    %get3A_215 = vector.shape_cast %get3A_214 : vector<16xf32> to vector<16xf32>
    %mul3A_216 = arith.constant 1.000000e+03 : f32
    %mul3A_217 = vector.broadcast %mul3A_216 : f32 to vector<16xf32>
    %mul3A_218 = arith.mulf %mul3A_217, %get3A_215 : vector<16xf32>
    %add3A_219 = arith.addf %get3A_212, %mul3A_218 : vector<16xf32>
    %convert_element_type3A_220 = arith.fptosi %add3A_219 : vector<16xf32> to vector<16xi32>
    %swap3A_221 = arith.constant 224 : index
    %swap3A_222 = tpu.vector_load %arg8[%swap3A_221] {strides = array<i32>} : memref<528xi32, #tpu.memory_space<vmem>>, vector<16xi32>,
    %swap3A_223 = vector.shape_cast %swap3A_222 : vector<16xi32> to vector<16xi32>
    %swap3A_224 = vector.shape_cast %convert_element_type3A_220 : vector<16xi32> to vector<16xi32>
    tpu.vector_store %arg8[%swap3A_221], %swap3A_224 {strides = array<i32>} : memref<528xi32, #tpu.memory_space<vmem>>, vector<16xi32>,
    %get3A_225 = arith.constant 240 : index
    %get3A_226 = tpu.vector_load %arg6[%get3A_225] {strides = array<i32>} : memref<512xf32, #tpu.memory_space<vmem>>, vector<16xf32>,
    %get3A_227 = vector.shape_cast %get3A_226 : vector<16xf32> to vector<16xf32>
    %get3A_228 = arith.constant 240 : index
    %get3A_229 = tpu.vector_load %arg7[%get3A_228] {strides = array<i32>} : memref<512xf32, #tpu.memory_space<vmem>>, vector<16xf32>,
    %get3A_230 = vector.shape_cast %get3A_229 : vector<16xf32> to vector<16xf32>
    %mul3A_231 = arith.constant 1.000000e+03 : f32
    %mul3A_232 = vector.broadcast %mul3A_231 : f32 to vector<16xf32>
    %mul3A_233 = arith.mulf %mul3A_232, %get3A_230 : vector<16xf32>
    %add3A_234 = arith.addf %get3A_227, %mul3A_233 : vector<16xf32>
    %convert_element_type3A_235 = arith.fptosi %add3A_234 : vector<16xf32> to vector<16xi32>
    %swap3A_236 = arith.constant 240 : index
    %swap3A_237 = tpu.vector_load %arg8[%swap3A_236] {strides = array<i32>} : memref<528xi32, #tpu.memory_space<vmem>>, vector<16xi32>,
    %swap3A_238 = vector.shape_cast %swap3A_237 : vector<16xi32> to vector<16xi32>
    %swap3A_239 = vector.shape_cast %convert_element_type3A_235 : vector<16xi32> to vector<16xi32>
    tpu.vector_store %arg8[%swap3A_236], %swap3A_239 {strides = array<i32>} : memref<528xi32, #tpu.memory_space<vmem>>, vector<16xi32>,
    %get3A_240 = arith.constant 256 : index
    %get3A_241 = tpu.vector_load %arg6[%get3A_240] {strides = array<i32>} : memref<512xf32, #tpu.memory_space<vmem>>, vector<16xf32>,
    %get3A_242 = vector.shape_cast %get3A_241 : vector<16xf32> to vector<16xf32>
    %get3A_243 = arith.constant 256 : index
    %get3A_244 = tpu.vector_load %arg7[%get3A_243] {strides = array<i32>} : memref<512xf32, #tpu.memory_space<vmem>>, vector<16xf32>,
    %get3A_245 = vector.shape_cast %get3A_244 : vector<16xf32> to vector<16xf32>
    %mul3A_246 = arith.constant 1.000000e+03 : f32
    %mul3A_247 = vector.broadcast %mul3A_246 : f32 to vector<16xf32>
    %mul3A_248 = arith.mulf %mul3A_247, %get3A_245 : vector<16xf32>
    %add3A_249 = arith.addf %get3A_242, %mul3A_248 : vector<16xf32>
    %convert_element_type3A_250 = arith.fptosi %add3A_249 : vector<16xf32> to vector<16xi32>
    %swap3A_251 = arith.constant 256 : index
    %swap3A_252 = tpu.vector_load %arg8[%swap3A_251] {strides = array<i32>} : memref<528xi32, #tpu.memory_space<vmem>>, vector<16xi32>,
    %swap3A_253 = vector.shape_cast %swap3A_252 : vector<16xi32> to vector<16xi32>
    %swap3A_254 = vector.shape_cast %convert_element_type3A_250 : vector<16xi32> to vector<16xi32>
    tpu.vector_store %arg8[%swap3A_251], %swap3A_254 {strides = array<i32>} : memref<528xi32, #tpu.memory_space<vmem>>, vector<16xi32>,
    %get3A_255 = arith.constant 272 : index
    %get3A_256 = tpu.vector_load %arg6[%get3A_255] {strides = array<i32>} : memref<512xf32, #tpu.memory_space<vmem>>, vector<16xf32>,
    %get3A_257 = vector.shape_cast %get3A_256 : vector<16xf32> to vector<16xf32>
    %get3A_258 = arith.constant 272 : index
    %get3A_259 = tpu.vector_load %arg7[%get3A_258] {strides = array<i32>} : memref<512xf32, #tpu.memory_space<vmem>>, vector<16xf32>,
    %get3A_260 = vector.shape_cast %get3A_259 : vector<16xf32> to vector<16xf32>
    %mul3A_261 = arith.constant 1.000000e+03 : f32
    %mul3A_262 = vector.broadcast %mul3A_261 : f32 to vector<16xf32>
    %mul3A_263 = arith.mulf %mul3A_262, %get3A_260 : vector<16xf32>
    %add3A_264 = arith.addf %get3A_257, %mul3A_263 : vector<16xf32>
    %convert_element_type3A_265 = arith.fptosi %add3A_264 : vector<16xf32> to vector<16xi32>
    %swap3A_266 = arith.constant 272 : index
    %swap3A_267 = tpu.vector_load %arg8[%swap3A_266] {strides = array<i32>} : memref<528xi32, #tpu.memory_space<vmem>>, vector<16xi32>,
    %swap3A_268 = vector.shape_cast %swap3A_267 : vector<16xi32> to vector<16xi32>
    %swap3A_269 = vector.shape_cast %convert_element_type3A_265 : vector<16xi32> to vector<16xi32>
    tpu.vector_store %arg8[%swap3A_266], %swap3A_269 {strides = array<i32>} : memref<528xi32, #tpu.memory_space<vmem>>, vector<16xi32>,
    %get3A_270 = arith.constant 288 : index
    %get3A_271 = tpu.vector_load %arg6[%get3A_270] {strides = array<i32>} : memref<512xf32, #tpu.memory_space<vmem>>, vector<16xf32>,
    %get3A_272 = vector.shape_cast %get3A_271 : vector<16xf32> to vector<16xf32>
    %get3A_273 = arith.constant 288 : index
    %get3A_274 = tpu.vector_load %arg7[%get3A_273] {strides = array<i32>} : memref<512xf32, #tpu.memory_space<vmem>>, vector<16xf32>,
    %get3A_275 = vector.shape_cast %get3A_274 : vector<16xf32> to vector<16xf32>
    %mul3A_276 = arith.constant 1.000000e+03 : f32
    %mul3A_277 = vector.broadcast %mul3A_276 : f32 to vector<16xf32>
    %mul3A_278 = arith.mulf %mul3A_277, %get3A_275 : vector<16xf32>
    %add3A_279 = arith.addf %get3A_272, %mul3A_278 : vector<16xf32>
    %convert_element_type3A_280 = arith.fptosi %add3A_279 : vector<16xf32> to vector<16xi32>
    %swap3A_281 = arith.constant 288 : index
    %swap3A_282 = tpu.vector_load %arg8[%swap3A_281] {strides = array<i32>} : memref<528xi32, #tpu.memory_space<vmem>>, vector<16xi32>,
    %swap3A_283 = vector.shape_cast %swap3A_282 : vector<16xi32> to vector<16xi32>
    %swap3A_284 = vector.shape_cast %convert_element_type3A_280 : vector<16xi32> to vector<16xi32>
    tpu.vector_store %arg8[%swap3A_281], %swap3A_284 {strides = array<i32>} : memref<528xi32, #tpu.memory_space<vmem>>, vector<16xi32>,
    %get3A_285 = arith.constant 304 : index
    %get3A_286 = tpu.vector_load %arg6[%get3A_285] {strides = array<i32>} : memref<512xf32, #tpu.memory_space<vmem>>, vector<16xf32>,
    %get3A_287 = vector.shape_cast %get3A_286 : vector<16xf32> to vector<16xf32>
    %get3A_288 = arith.constant 304 : index
    %get3A_289 = tpu.vector_load %arg7[%get3A_288] {strides = array<i32>} : memref<512xf32, #tpu.memory_space<vmem>>, vector<16xf32>,
    %get3A_290 = vector.shape_cast %get3A_289 : vector<16xf32> to vector<16xf32>
    %mul3A_291 = arith.constant 1.000000e+03 : f32
    %mul3A_292 = vector.broadcast %mul3A_291 : f32 to vector<16xf32>
    %mul3A_293 = arith.mulf %mul3A_292, %get3A_290 : vector<16xf32>
    %add3A_294 = arith.addf %get3A_287, %mul3A_293 : vector<16xf32>
    %convert_element_type3A_295 = arith.fptosi %add3A_294 : vector<16xf32> to vector<16xi32>
    %swap3A_296 = arith.constant 304 : index
    %swap3A_297 = tpu.vector_load %arg8[%swap3A_296] {strides = array<i32>} : memref<528xi32, #tpu.memory_space<vmem>>, vector<16xi32>,
    %swap3A_298 = vector.shape_cast %swap3A_297 : vector<16xi32> to vector<16xi32>
    %swap3A_299 = vector.shape_cast %convert_element_type3A_295 : vector<16xi32> to vector<16xi32>
    tpu.vector_store %arg8[%swap3A_296], %swap3A_299 {strides = array<i32>} : memref<528xi32, #tpu.memory_space<vmem>>, vector<16xi32>,
    %get3A_300 = arith.constant 320 : index
    %get3A_301 = tpu.vector_load %arg6[%get3A_300] {strides = array<i32>} : memref<512xf32, #tpu.memory_space<vmem>>, vector<16xf32>,
    %get3A_302 = vector.shape_cast %get3A_301 : vector<16xf32> to vector<16xf32>
    %get3A_303 = arith.constant 320 : index
    %get3A_304 = tpu.vector_load %arg7[%get3A_303] {strides = array<i32>} : memref<512xf32, #tpu.memory_space<vmem>>, vector<16xf32>,
    %get3A_305 = vector.shape_cast %get3A_304 : vector<16xf32> to vector<16xf32>
    %mul3A_306 = arith.constant 1.000000e+03 : f32
    %mul3A_307 = vector.broadcast %mul3A_306 : f32 to vector<16xf32>
    %mul3A_308 = arith.mulf %mul3A_307, %get3A_305 : vector<16xf32>
    %add3A_309 = arith.addf %get3A_302, %mul3A_308 : vector<16xf32>
    %convert_element_type3A_310 = arith.fptosi %add3A_309 : vector<16xf32> to vector<16xi32>
    %swap3A_311 = arith.constant 320 : index
    %swap3A_312 = tpu.vector_load %arg8[%swap3A_311] {strides = array<i32>} : memref<528xi32, #tpu.memory_space<vmem>>, vector<16xi32>,
    %swap3A_313 = vector.shape_cast %swap3A_312 : vector<16xi32> to vector<16xi32>
    %swap3A_314 = vector.shape_cast %convert_element_type3A_310 : vector<16xi32> to vector<16xi32>
    tpu.vector_store %arg8[%swap3A_311], %swap3A_314 {strides = array<i32>} : memref<528xi32, #tpu.memory_space<vmem>>, vector<16xi32>,
    %get3A_315 = arith.constant 336 : index
    %get3A_316 = tpu.vector_load %arg6[%get3A_315] {strides = array<i32>} : memref<512xf32, #tpu.memory_space<vmem>>, vector<16xf32>,
    %get3A_317 = vector.shape_cast %get3A_316 : vector<16xf32> to vector<16xf32>
    %get3A_318 = arith.constant 336 : index
    %get3A_319 = tpu.vector_load %arg7[%get3A_318] {strides = array<i32>} : memref<512xf32, #tpu.memory_space<vmem>>, vector<16xf32>,
    %get3A_320 = vector.shape_cast %get3A_319 : vector<16xf32> to vector<16xf32>
    %mul3A_321 = arith.constant 1.000000e+03 : f32
    %mul3A_322 = vector.broadcast %mul3A_321 : f32 to vector<16xf32>
    %mul3A_323 = arith.mulf %mul3A_322, %get3A_320 : vector<16xf32>
    %add3A_324 = arith.addf %get3A_317, %mul3A_323 : vector<16xf32>
    %convert_element_type3A_325 = arith.fptosi %add3A_324 : vector<16xf32> to vector<16xi32>
    %swap3A_326 = arith.constant 336 : index
    %swap3A_327 = tpu.vector_load %arg8[%swap3A_326] {strides = array<i32>} : memref<528xi32, #tpu.memory_space<vmem>>, vector<16xi32>,
    %swap3A_328 = vector.shape_cast %swap3A_327 : vector<16xi32> to vector<16xi32>
    %swap3A_329 = vector.shape_cast %convert_element_type3A_325 : vector<16xi32> to vector<16xi32>
    tpu.vector_store %arg8[%swap3A_326], %swap3A_329 {strides = array<i32>} : memref<528xi32, #tpu.memory_space<vmem>>, vector<16xi32>,
    %get3A_330 = arith.constant 352 : index
    %get3A_331 = tpu.vector_load %arg6[%get3A_330] {strides = array<i32>} : memref<512xf32, #tpu.memory_space<vmem>>, vector<16xf32>,
    %get3A_332 = vector.shape_cast %get3A_331 : vector<16xf32> to vector<16xf32>
    %get3A_333 = arith.constant 352 : index
    %get3A_334 = tpu.vector_load %arg7[%get3A_333] {strides = array<i32>} : memref<512xf32, #tpu.memory_space<vmem>>, vector<16xf32>,
    %get3A_335 = vector.shape_cast %get3A_334 : vector<16xf32> to vector<16xf32>
    %mul3A_336 = arith.constant 1.000000e+03 : f32
    %mul3A_337 = vector.broadcast %mul3A_336 : f32 to vector<16xf32>
    %mul3A_338 = arith.mulf %mul3A_337, %get3A_335 : vector<16xf32>
    %add3A_339 = arith.addf %get3A_332, %mul3A_338 : vector<16xf32>
    %convert_element_type3A_340 = arith.fptosi %add3A_339 : vector<16xf32> to vector<16xi32>
    %swap3A_341 = arith.constant 352 : index
    %swap3A_342 = tpu.vector_load %arg8[%swap3A_341] {strides = array<i32>} : memref<528xi32, #tpu.memory_space<vmem>>, vector<16xi32>,
    %swap3A_343 = vector.shape_cast %swap3A_342 : vector<16xi32> to vector<16xi32>
    %swap3A_344 = vector.shape_cast %convert_element_type3A_340 : vector<16xi32> to vector<16xi32>
    tpu.vector_store %arg8[%swap3A_341], %swap3A_344 {strides = array<i32>} : memref<528xi32, #tpu.memory_space<vmem>>, vector<16xi32>,
    %get3A_345 = arith.constant 368 : index
    %get3A_346 = tpu.vector_load %arg6[%get3A_345] {strides = array<i32>} : memref<512xf32, #tpu.memory_space<vmem>>, vector<16xf32>,
    %get3A_347 = vector.shape_cast %get3A_346 : vector<16xf32> to vector<16xf32>
    %get3A_348 = arith.constant 368 : index
    %get3A_349 = tpu.vector_load %arg7[%get3A_348] {strides = array<i32>} : memref<512xf32, #tpu.memory_space<vmem>>, vector<16xf32>,
    %get3A_350 = vector.shape_cast %get3A_349 : vector<16xf32> to vector<16xf32>
    %mul3A_351 = arith.constant 1.000000e+03 : f32
    %mul3A_352 = vector.broadcast %mul3A_351 : f32 to vector<16xf32>
    %mul3A_353 = arith.mulf %mul3A_352, %get3A_350 : vector<16xf32>
    %add3A_354 = arith.addf %get3A_347, %mul3A_353 : vector<16xf32>
    %convert_element_type3A_355 = arith.fptosi %add3A_354 : vector<16xf32> to vector<16xi32>
    %swap3A_356 = arith.constant 368 : index
    %swap3A_357 = tpu.vector_load %arg8[%swap3A_356] {strides = array<i32>} : memref<528xi32, #tpu.memory_space<vmem>>, vector<16xi32>,
    %swap3A_358 = vector.shape_cast %swap3A_357 : vector<16xi32> to vector<16xi32>
    %swap3A_359 = vector.shape_cast %convert_element_type3A_355 : vector<16xi32> to vector<16xi32>
    tpu.vector_store %arg8[%swap3A_356], %swap3A_359 {strides = array<i32>} : memref<528xi32, #tpu.memory_space<vmem>>, vector<16xi32>,
    %get3A_360 = arith.constant 384 : index
    %get3A_361 = tpu.vector_load %arg6[%get3A_360] {strides = array<i32>} : memref<512xf32, #tpu.memory_space<vmem>>, vector<16xf32>,
    %get3A_362 = vector.shape_cast %get3A_361 : vector<16xf32> to vector<16xf32>
    %get3A_363 = arith.constant 384 : index
    %get3A_364 = tpu.vector_load %arg7[%get3A_363] {strides = array<i32>} : memref<512xf32, #tpu.memory_space<vmem>>, vector<16xf32>,
    %get3A_365 = vector.shape_cast %get3A_364 : vector<16xf32> to vector<16xf32>
    %mul3A_366 = arith.constant 1.000000e+03 : f32
    %mul3A_367 = vector.broadcast %mul3A_366 : f32 to vector<16xf32>
    %mul3A_368 = arith.mulf %mul3A_367, %get3A_365 : vector<16xf32>
    %add3A_369 = arith.addf %get3A_362, %mul3A_368 : vector<16xf32>
    %convert_element_type3A_370 = arith.fptosi %add3A_369 : vector<16xf32> to vector<16xi32>
    %swap3A_371 = arith.constant 384 : index
    %swap3A_372 = tpu.vector_load %arg8[%swap3A_371] {strides = array<i32>} : memref<528xi32, #tpu.memory_space<vmem>>, vector<16xi32>,
    %swap3A_373 = vector.shape_cast %swap3A_372 : vector<16xi32> to vector<16xi32>
    %swap3A_374 = vector.shape_cast %convert_element_type3A_370 : vector<16xi32> to vector<16xi32>
    tpu.vector_store %arg8[%swap3A_371], %swap3A_374 {strides = array<i32>} : memref<528xi32, #tpu.memory_space<vmem>>, vector<16xi32>,
    %get3A_375 = arith.constant 400 : index
    %get3A_376 = tpu.vector_load %arg6[%get3A_375] {strides = array<i32>} : memref<512xf32, #tpu.memory_space<vmem>>, vector<16xf32>,
    %get3A_377 = vector.shape_cast %get3A_376 : vector<16xf32> to vector<16xf32>
    %get3A_378 = arith.constant 400 : index
    %get3A_379 = tpu.vector_load %arg7[%get3A_378] {strides = array<i32>} : memref<512xf32, #tpu.memory_space<vmem>>, vector<16xf32>,
    %get3A_380 = vector.shape_cast %get3A_379 : vector<16xf32> to vector<16xf32>
    %mul3A_381 = arith.constant 1.000000e+03 : f32
    %mul3A_382 = vector.broadcast %mul3A_381 : f32 to vector<16xf32>
    %mul3A_383 = arith.mulf %mul3A_382, %get3A_380 : vector<16xf32>
    %add3A_384 = arith.addf %get3A_377, %mul3A_383 : vector<16xf32>
    %convert_element_type3A_385 = arith.fptosi %add3A_384 : vector<16xf32> to vector<16xi32>
    %swap3A_386 = arith.constant 400 : index
    %swap3A_387 = tpu.vector_load %arg8[%swap3A_386] {strides = array<i32>} : memref<528xi32, #tpu.memory_space<vmem>>, vector<16xi32>,
    %swap3A_388 = vector.shape_cast %swap3A_387 : vector<16xi32> to vector<16xi32>
    %swap3A_389 = vector.shape_cast %convert_element_type3A_385 : vector<16xi32> to vector<16xi32>
    tpu.vector_store %arg8[%swap3A_386], %swap3A_389 {strides = array<i32>} : memref<528xi32, #tpu.memory_space<vmem>>, vector<16xi32>,
    %get3A_390 = arith.constant 416 : index
    %get3A_391 = tpu.vector_load %arg6[%get3A_390] {strides = array<i32>} : memref<512xf32, #tpu.memory_space<vmem>>, vector<16xf32>,
    %get3A_392 = vector.shape_cast %get3A_391 : vector<16xf32> to vector<16xf32>
    %get3A_393 = arith.constant 416 : index
    %get3A_394 = tpu.vector_load %arg7[%get3A_393] {strides = array<i32>} : memref<512xf32, #tpu.memory_space<vmem>>, vector<16xf32>,
    %get3A_395 = vector.shape_cast %get3A_394 : vector<16xf32> to vector<16xf32>
    %mul3A_396 = arith.constant 1.000000e+03 : f32
    %mul3A_397 = vector.broadcast %mul3A_396 : f32 to vector<16xf32>
    %mul3A_398 = arith.mulf %mul3A_397, %get3A_395 : vector<16xf32>
    %add3A_399 = arith.addf %get3A_392, %mul3A_398 : vector<16xf32>
    %convert_element_type3A_400 = arith.fptosi %add3A_399 : vector<16xf32> to vector<16xi32>
    %swap3A_401 = arith.constant 416 : index
    %swap3A_402 = tpu.vector_load %arg8[%swap3A_401] {strides = array<i32>} : memref<528xi32, #tpu.memory_space<vmem>>, vector<16xi32>,
    %swap3A_403 = vector.shape_cast %swap3A_402 : vector<16xi32> to vector<16xi32>
    %swap3A_404 = vector.shape_cast %convert_element_type3A_400 : vector<16xi32> to vector<16xi32>
    tpu.vector_store %arg8[%swap3A_401], %swap3A_404 {strides = array<i32>} : memref<528xi32, #tpu.memory_space<vmem>>, vector<16xi32>,
    %get3A_405 = arith.constant 432 : index
    %get3A_406 = tpu.vector_load %arg6[%get3A_405] {strides = array<i32>} : memref<512xf32, #tpu.memory_space<vmem>>, vector<16xf32>,
    %get3A_407 = vector.shape_cast %get3A_406 : vector<16xf32> to vector<16xf32>
    %get3A_408 = arith.constant 432 : index
    %get3A_409 = tpu.vector_load %arg7[%get3A_408] {strides = array<i32>} : memref<512xf32, #tpu.memory_space<vmem>>, vector<16xf32>,
    %get3A_410 = vector.shape_cast %get3A_409 : vector<16xf32> to vector<16xf32>
    %mul3A_411 = arith.constant 1.000000e+03 : f32
    %mul3A_412 = vector.broadcast %mul3A_411 : f32 to vector<16xf32>
    %mul3A_413 = arith.mulf %mul3A_412, %get3A_410 : vector<16xf32>
    %add3A_414 = arith.addf %get3A_407, %mul3A_413 : vector<16xf32>
    %convert_element_type3A_415 = arith.fptosi %add3A_414 : vector<16xf32> to vector<16xi32>
    %swap3A_416 = arith.constant 432 : index
    %swap3A_417 = tpu.vector_load %arg8[%swap3A_416] {strides = array<i32>} : memref<528xi32, #tpu.memory_space<vmem>>, vector<16xi32>,
    %swap3A_418 = vector.shape_cast %swap3A_417 : vector<16xi32> to vector<16xi32>
    %swap3A_419 = vector.shape_cast %convert_element_type3A_415 : vector<16xi32> to vector<16xi32>
    tpu.vector_store %arg8[%swap3A_416], %swap3A_419 {strides = array<i32>} : memref<528xi32, #tpu.memory_space<vmem>>, vector<16xi32>,
    %get3A_420 = arith.constant 448 : index
    %get3A_421 = tpu.vector_load %arg6[%get3A_420] {strides = array<i32>} : memref<512xf32, #tpu.memory_space<vmem>>, vector<16xf32>,
    %get3A_422 = vector.shape_cast %get3A_421 : vector<16xf32> to vector<16xf32>
    %get3A_423 = arith.constant 448 : index
    %get3A_424 = tpu.vector_load %arg7[%get3A_423] {strides = array<i32>} : memref<512xf32, #tpu.memory_space<vmem>>, vector<16xf32>,
    %get3A_425 = vector.shape_cast %get3A_424 : vector<16xf32> to vector<16xf32>
    %mul3A_426 = arith.constant 1.000000e+03 : f32
    %mul3A_427 = vector.broadcast %mul3A_426 : f32 to vector<16xf32>
    %mul3A_428 = arith.mulf %mul3A_427, %get3A_425 : vector<16xf32>
    %add3A_429 = arith.addf %get3A_422, %mul3A_428 : vector<16xf32>
    %convert_element_type3A_430 = arith.fptosi %add3A_429 : vector<16xf32> to vector<16xi32>
    %swap3A_431 = arith.constant 448 : index
    %swap3A_432 = tpu.vector_load %arg8[%swap3A_431] {strides = array<i32>} : memref<528xi32, #tpu.memory_space<vmem>>, vector<16xi32>,
    %swap3A_433 = vector.shape_cast %swap3A_432 : vector<16xi32> to vector<16xi32>
    %swap3A_434 = vector.shape_cast %convert_element_type3A_430 : vector<16xi32> to vector<16xi32>
    tpu.vector_store %arg8[%swap3A_431], %swap3A_434 {strides = array<i32>} : memref<528xi32, #tpu.memory_space<vmem>>, vector<16xi32>,
    %get3A_435 = arith.constant 464 : index
    %get3A_436 = tpu.vector_load %arg6[%get3A_435] {strides = array<i32>} : memref<512xf32, #tpu.memory_space<vmem>>, vector<16xf32>,
    %get3A_437 = vector.shape_cast %get3A_436 : vector<16xf32> to vector<16xf32>
    %get3A_438 = arith.constant 464 : index
    %get3A_439 = tpu.vector_load %arg7[%get3A_438] {strides = array<i32>} : memref<512xf32, #tpu.memory_space<vmem>>, vector<16xf32>,
    %get3A_440 = vector.shape_cast %get3A_439 : vector<16xf32> to vector<16xf32>
    %mul3A_441 = arith.constant 1.000000e+03 : f32
    %mul3A_442 = vector.broadcast %mul3A_441 : f32 to vector<16xf32>
    %mul3A_443 = arith.mulf %mul3A_442, %get3A_440 : vector<16xf32>
    %add3A_444 = arith.addf %get3A_437, %mul3A_443 : vector<16xf32>
    %convert_element_type3A_445 = arith.fptosi %add3A_444 : vector<16xf32> to vector<16xi32>
    %swap3A_446 = arith.constant 464 : index
    %swap3A_447 = tpu.vector_load %arg8[%swap3A_446] {strides = array<i32>} : memref<528xi32, #tpu.memory_space<vmem>>, vector<16xi32>,
    %swap3A_448 = vector.shape_cast %swap3A_447 : vector<16xi32> to vector<16xi32>
    %swap3A_449 = vector.shape_cast %convert_element_type3A_445 : vector<16xi32> to vector<16xi32>
    tpu.vector_store %arg8[%swap3A_446], %swap3A_449 {strides = array<i32>} : memref<528xi32, #tpu.memory_space<vmem>>, vector<16xi32>,
    %get3A_450 = arith.constant 480 : index
    %get3A_451 = tpu.vector_load %arg6[%get3A_450] {strides = array<i32>} : memref<512xf32, #tpu.memory_space<vmem>>, vector<16xf32>,
    %get3A_452 = vector.shape_cast %get3A_451 : vector<16xf32> to vector<16xf32>
    %get3A_453 = arith.constant 480 : index
    %get3A_454 = tpu.vector_load %arg7[%get3A_453] {strides = array<i32>} : memref<512xf32, #tpu.memory_space<vmem>>, vector<16xf32>,
    %get3A_455 = vector.shape_cast %get3A_454 : vector<16xf32> to vector<16xf32>
    %mul3A_456 = arith.constant 1.000000e+03 : f32
    %mul3A_457 = vector.broadcast %mul3A_456 : f32 to vector<16xf32>
    %mul3A_458 = arith.mulf %mul3A_457, %get3A_455 : vector<16xf32>
    %add3A_459 = arith.addf %get3A_452, %mul3A_458 : vector<16xf32>
    %convert_element_type3A_460 = arith.fptosi %add3A_459 : vector<16xf32> to vector<16xi32>
    %swap3A_461 = arith.constant 480 : index
    %swap3A_462 = tpu.vector_load %arg8[%swap3A_461] {strides = array<i32>} : memref<528xi32, #tpu.memory_space<vmem>>, vector<16xi32>,
    %swap3A_463 = vector.shape_cast %swap3A_462 : vector<16xi32> to vector<16xi32>
    %swap3A_464 = vector.shape_cast %convert_element_type3A_460 : vector<16xi32> to vector<16xi32>
    tpu.vector_store %arg8[%swap3A_461], %swap3A_464 {strides = array<i32>} : memref<528xi32, #tpu.memory_space<vmem>>, vector<16xi32>,
    %get3A_465 = arith.constant 496 : index
    %get3A_466 = tpu.vector_load %arg6[%get3A_465] {strides = array<i32>} : memref<512xf32, #tpu.memory_space<vmem>>, vector<16xf32>,
    %get3A_467 = vector.shape_cast %get3A_466 : vector<16xf32> to vector<16xf32>
    %get3A_468 = arith.constant 496 : index
    %get3A_469 = tpu.vector_load %arg7[%get3A_468] {strides = array<i32>} : memref<512xf32, #tpu.memory_space<vmem>>, vector<16xf32>,
    %get3A_470 = vector.shape_cast %get3A_469 : vector<16xf32> to vector<16xf32>
    %mul3A_471 = arith.constant 1.000000e+03 : f32
    %mul3A_472 = vector.broadcast %mul3A_471 : f32 to vector<16xf32>
    %mul3A_473 = arith.mulf %mul3A_472, %get3A_470 : vector<16xf32>
    %add3A_474 = arith.addf %get3A_467, %mul3A_473 : vector<16xf32>
    %convert_element_type3A_475 = arith.fptosi %add3A_474 : vector<16xf32> to vector<16xi32>
    %swap3A_476 = arith.constant 496 : index
    %swap3A_477 = tpu.vector_load %arg8[%swap3A_476] {strides = array<i32>} : memref<528xi32, #tpu.memory_space<vmem>>, vector<16xi32>,
    %swap3A_478 = vector.shape_cast %swap3A_477 : vector<16xi32> to vector<16xi32>
    %swap3A_479 = vector.shape_cast %convert_element_type3A_475 : vector<16xi32> to vector<16xi32>
    tpu.vector_store %arg8[%swap3A_476], %swap3A_479 {strides = array<i32>} : memref<528xi32, #tpu.memory_space<vmem>>, vector<16xi32>,
    %scan3A = arith.constant 0 : i32
    %scan3A_480 = arith.constant 0 : i32
    %scan3A_481 = arith.constant 32 : i32
    %scan3A_482 = arith.addi %scan3A_480, %scan3A_481 : i32
    %scan3A_483 = arith.constant 1 : i32
    %scan3A_484 = scf.for %scan3A_489 = %scan3A_480 to %scan3A_482 step %scan3A_483 iter_args(%scan3A_490 = %scan3A) -> (i32)  : i32 {
      %mul3A_491 = arith.constant 16 : i32
      %mul3A_492 = arith.muli %scan3A_489, %mul3A_491 : i32
      %get3A_493 = arith.index_cast %mul3A_492 : i32 to index
      %get3A_494 = tpu.vector_load %arg8[%get3A_493] {strides = array<i32>} : memref<528xi32, #tpu.memory_space<vmem>>, vector<16xi32>,
      %get3A_495 = vector.shape_cast %get3A_494 : vector<16xi32> to vector<16xi32>
      %slice3A = vector.extract_strided_slice %get3A_495 {offsets = [0], sizes = [1], strides = [1]} : vector<16xi32> to vector<1xi32>
      %squeeze3A = vector.extract %slice3A[0] : i32 from vector<1xi32>
      %mul3A_496 = arith.constant 16 : i32
      %mul3A_497 = arith.muli %scan3A_489, %mul3A_496 : i32
      %add3A_498 = arith.constant 0 : i32
      %add3A_499 = arith.addi %mul3A_497, %add3A_498 : i32
      %dma_start3A = arith.constant 0 : i32
      %dma_start3A_500 = tpu.memref_slice %arg9[%add3A_499, %dma_start3A] : memref<512x64xf32, #tpu.memory_space<vmem>> -> memref<1x64xf32, #tpu.memory_space<vmem>>
      %dma_start3A_501 = tpu.memref_squeeze %dma_start3A_500 : memref<1x64xf32, #tpu.memory_space<vmem>> -> memref<64xf32, #tpu.memory_space<vmem>>
      %dma_start3A_502 = arith.constant 0 : i32
      %dma_start3A_503 = tpu.memref_slice %arg4[%squeeze3A, %dma_start3A_502] : memref<1000000x64xf32, #tpu.memory_space<hbm>> -> memref<1x64xf32, #tpu.memory_space<hbm>>
      %dma_start3A_504 = tpu.memref_squeeze %dma_start3A_503 : memref<1x64xf32, #tpu.memory_space<hbm>> -> memref<64xf32, #tpu.memory_space<hbm>>
      %dma_start3A_505 = arith.constant 0 : i32
      %dma_start3A_506 = tpu.memref_slice %arg9[%add3A_499, %dma_start3A_505] : memref<512x64xf32, #tpu.memory_space<vmem>> -> memref<1x64xf32, #tpu.memory_space<vmem>>
      %dma_start3A_507 = tpu.memref_squeeze %dma_start3A_506 : memref<1x64xf32, #tpu.memory_space<vmem>> -> memref<64xf32, #tpu.memory_space<vmem>>
      %dma_start3A_508 = arith.constant 0 : i32
      %dma_start3A_509 = tpu.memref_slice %arg4[%squeeze3A, %dma_start3A_508] : memref<1000000x64xf32, #tpu.memory_space<hbm>> -> memref<1x64xf32, #tpu.memory_space<hbm>>
      %dma_start3A_510 = tpu.memref_squeeze %dma_start3A_509 : memref<1x64xf32, #tpu.memory_space<hbm>> -> memref<64xf32, #tpu.memory_space<hbm>>
      tpu.enqueue_dma source(%dma_start3A_510 : memref<64xf32, #tpu.memory_space<hbm>>) target(%dma_start3A_507 : memref<64xf32, #tpu.memory_space<vmem>>) target_semaphore(%arg10 : memref<!tpu.dma_semaphore, #tpu.memory_space<semaphore_mem>>)
      %slice3A_511 = vector.extract_strided_slice %get3A_495 {offsets = [1], sizes = [1], strides = [1]} : vector<16xi32> to vector<1xi32>
      %squeeze3A_512 = vector.extract %slice3A_511[0] : i32 from vector<1xi32>
      %mul3A_513 = arith.constant 16 : i32
      %mul3A_514 = arith.muli %scan3A_489, %mul3A_513 : i32
      %add3A_515 = arith.constant 1 : i32
      %add3A_516 = arith.addi %mul3A_514, %add3A_515 : i32
      %dma_start3A_517 = arith.constant 0 : i32
      %dma_start3A_518 = tpu.memref_slice %arg9[%add3A_516, %dma_start3A_517] : memref<512x64xf32, #tpu.memory_space<vmem>> -> memref<1x64xf32, #tpu.memory_space<vmem>>
      %dma_start3A_519 = tpu.memref_squeeze %dma_start3A_518 : memref<1x64xf32, #tpu.memory_space<vmem>> -> memref<64xf32, #tpu.memory_space<vmem>>
      %dma_start3A_520 = arith.constant 0 : i32
      %dma_start3A_521 = tpu.memref_slice %arg4[%squeeze3A_512, %dma_start3A_520] : memref<1000000x64xf32, #tpu.memory_space<hbm>> -> memref<1x64xf32, #tpu.memory_space<hbm>>
      %dma_start3A_522 = tpu.memref_squeeze %dma_start3A_521 : memref<1x64xf32, #tpu.memory_space<hbm>> -> memref<64xf32, #tpu.memory_space<hbm>>
      %dma_start3A_523 = arith.constant 0 : i32
      %dma_start3A_524 = tpu.memref_slice %arg9[%add3A_516, %dma_start3A_523] : memref<512x64xf32, #tpu.memory_space<vmem>> -> memref<1x64xf32, #tpu.memory_space<vmem>>
      %dma_start3A_525 = tpu.memref_squeeze %dma_start3A_524 : memref<1x64xf32, #tpu.memory_space<vmem>> -> memref<64xf32, #tpu.memory_space<vmem>>
      %dma_start3A_526 = arith.constant 0 : i32
      %dma_start3A_527 = tpu.memref_slice %arg4[%squeeze3A_512, %dma_start3A_526] : memref<1000000x64xf32, #tpu.memory_space<hbm>> -> memref<1x64xf32, #tpu.memory_space<hbm>>
      %dma_start3A_528 = tpu.memref_squeeze %dma_start3A_527 : memref<1x64xf32, #tpu.memory_space<hbm>> -> memref<64xf32, #tpu.memory_space<hbm>>
      tpu.enqueue_dma source(%dma_start3A_528 : memref<64xf32, #tpu.memory_space<hbm>>) target(%dma_start3A_525 : memref<64xf32, #tpu.memory_space<vmem>>) target_semaphore(%arg10 : memref<!tpu.dma_semaphore, #tpu.memory_space<semaphore_mem>>)
      %slice3A_529 = vector.extract_strided_slice %get3A_495 {offsets = [2], sizes = [1], strides = [1]} : vector<16xi32> to vector<1xi32>
      %squeeze3A_530 = vector.extract %slice3A_529[0] : i32 from vector<1xi32>
      %mul3A_531 = arith.constant 16 : i32
      %mul3A_532 = arith.muli %scan3A_489, %mul3A_531 : i32
      %add3A_533 = arith.constant 2 : i32
      %add3A_534 = arith.addi %mul3A_532, %add3A_533 : i32
      %dma_start3A_535 = arith.constant 0 : i32
      %dma_start3A_536 = tpu.memref_slice %arg9[%add3A_534, %dma_start3A_535] : memref<512x64xf32, #tpu.memory_space<vmem>> -> memref<1x64xf32, #tpu.memory_space<vmem>>
      %dma_start3A_537 = tpu.memref_squeeze %dma_start3A_536 : memref<1x64xf32, #tpu.memory_space<vmem>> -> memref<64xf32, #tpu.memory_space<vmem>>
      %dma_start3A_538 = arith.constant 0 : i32
      %dma_start3A_539 = tpu.memref_slice %arg4[%squeeze3A_530, %dma_start3A_538] : memref<1000000x64xf32, #tpu.memory_space<hbm>> -> memref<1x64xf32, #tpu.memory_space<hbm>>
      %dma_start3A_540 = tpu.memref_squeeze %dma_start3A_539 : memref<1x64xf32, #tpu.memory_space<hbm>> -> memref<64xf32, #tpu.memory_space<hbm>>
      %dma_start3A_541 = arith.constant 0 : i32
      %dma_start3A_542 = tpu.memref_slice %arg9[%add3A_534, %dma_start3A_541] : memref<512x64xf32, #tpu.memory_space<vmem>> -> memref<1x64xf32, #tpu.memory_space<vmem>>
      %dma_start3A_543 = tpu.memref_squeeze %dma_start3A_542 : memref<1x64xf32, #tpu.memory_space<vmem>> -> memref<64xf32, #tpu.memory_space<vmem>>
      %dma_start3A_544 = arith.constant 0 : i32
      %dma_start3A_545 = tpu.memref_slice %arg4[%squeeze3A_530, %dma_start3A_544] : memref<1000000x64xf32, #tpu.memory_space<hbm>> -> memref<1x64xf32, #tpu.memory_space<hbm>>
      %dma_start3A_546 = tpu.memref_squeeze %dma_start3A_545 : memref<1x64xf32, #tpu.memory_space<hbm>> -> memref<64xf32, #tpu.memory_space<hbm>>
      tpu.enqueue_dma source(%dma_start3A_546 : memref<64xf32, #tpu.memory_space<hbm>>) target(%dma_start3A_543 : memref<64xf32, #tpu.memory_space<vmem>>) target_semaphore(%arg10 : memref<!tpu.dma_semaphore, #tpu.memory_space<semaphore_mem>>)
      %slice3A_547 = vector.extract_strided_slice %get3A_495 {offsets = [3], sizes = [1], strides = [1]} : vector<16xi32> to vector<1xi32>
      %squeeze3A_548 = vector.extract %slice3A_547[0] : i32 from vector<1xi32>
      %mul3A_549 = arith.constant 16 : i32
      %mul3A_550 = arith.muli %scan3A_489, %mul3A_549 : i32
      %add3A_551 = arith.constant 3 : i32
      %add3A_552 = arith.addi %mul3A_550, %add3A_551 : i32
      %dma_start3A_553 = arith.constant 0 : i32
      %dma_start3A_554 = tpu.memref_slice %arg9[%add3A_552, %dma_start3A_553] : memref<512x64xf32, #tpu.memory_space<vmem>> -> memref<1x64xf32, #tpu.memory_space<vmem>>
      %dma_start3A_555 = tpu.memref_squeeze %dma_start3A_554 : memref<1x64xf32, #tpu.memory_space<vmem>> -> memref<64xf32, #tpu.memory_space<vmem>>
      %dma_start3A_556 = arith.constant 0 : i32
      %dma_start3A_557 = tpu.memref_slice %arg4[%squeeze3A_548, %dma_start3A_556] : memref<1000000x64xf32, #tpu.memory_space<hbm>> -> memref<1x64xf32, #tpu.memory_space<hbm>>
      %dma_start3A_558 = tpu.memref_squeeze %dma_start3A_557 : memref<1x64xf32, #tpu.memory_space<hbm>> -> memref<64xf32, #tpu.memory_space<hbm>>
      %dma_start3A_559 = arith.constant 0 : i32
      %dma_start3A_560 = tpu.memref_slice %arg9[%add3A_552, %dma_start3A_559] : memref<512x64xf32, #tpu.memory_space<vmem>> -> memref<1x64xf32, #tpu.memory_space<vmem>>
      %dma_start3A_561 = tpu.memref_squeeze %dma_start3A_560 : memref<1x64xf32, #tpu.memory_space<vmem>> -> memref<64xf32, #tpu.memory_space<vmem>>
      %dma_start3A_562 = arith.constant 0 : i32
      %dma_start3A_563 = tpu.memref_slice %arg4[%squeeze3A_548, %dma_start3A_562] : memref<1000000x64xf32, #tpu.memory_space<hbm>> -> memref<1x64xf32, #tpu.memory_space<hbm>>
      %dma_start3A_564 = tpu.memref_squeeze %dma_start3A_563 : memref<1x64xf32, #tpu.memory_space<hbm>> -> memref<64xf32, #tpu.memory_space<hbm>>
      tpu.enqueue_dma source(%dma_start3A_564 : memref<64xf32, #tpu.memory_space<hbm>>) target(%dma_start3A_561 : memref<64xf32, #tpu.memory_space<vmem>>) target_semaphore(%arg10 : memref<!tpu.dma_semaphore, #tpu.memory_space<semaphore_mem>>)
      %slice3A_565 = vector.extract_strided_slice %get3A_495 {offsets = [4], sizes = [1], strides = [1]} : vector<16xi32> to vector<1xi32>
      %squeeze3A_566 = vector.extract %slice3A_565[0] : i32 from vector<1xi32>
      %mul3A_567 = arith.constant 16 : i32
      %mul3A_568 = arith.muli %scan3A_489, %mul3A_567 : i32
      %add3A_569 = arith.constant 4 : i32
      %add3A_570 = arith.addi %mul3A_568, %add3A_569 : i32
      %dma_start3A_571 = arith.constant 0 : i32
      %dma_start3A_572 = tpu.memref_slice %arg9[%add3A_570, %dma_start3A_571] : memref<512x64xf32, #tpu.memory_space<vmem>> -> memref<1x64xf32, #tpu.memory_space<vmem>>
      %dma_start3A_573 = tpu.memref_squeeze %dma_start3A_572 : memref<1x64xf32, #tpu.memory_space<vmem>> -> memref<64xf32, #tpu.memory_space<vmem>>
      %dma_start3A_574 = arith.constant 0 : i32
      %dma_start3A_575 = tpu.memref_slice %arg4[%squeeze3A_566, %dma_start3A_574] : memref<1000000x64xf32, #tpu.memory_space<hbm>> -> memref<1x64xf32, #tpu.memory_space<hbm>>
      %dma_start3A_576 = tpu.memref_squeeze %dma_start3A_575 : memref<1x64xf32, #tpu.memory_space<hbm>> -> memref<64xf32, #tpu.memory_space<hbm>>
      %dma_start3A_577 = arith.constant 0 : i32
      %dma_start3A_578 = tpu.memref_slice %arg9[%add3A_570, %dma_start3A_577] : memref<512x64xf32, #tpu.memory_space<vmem>> -> memref<1x64xf32, #tpu.memory_space<vmem>>
      %dma_start3A_579 = tpu.memref_squeeze %dma_start3A_578 : memref<1x64xf32, #tpu.memory_space<vmem>> -> memref<64xf32, #tpu.memory_space<vmem>>
      %dma_start3A_580 = arith.constant 0 : i32
      %dma_start3A_581 = tpu.memref_slice %arg4[%squeeze3A_566, %dma_start3A_580] : memref<1000000x64xf32, #tpu.memory_space<hbm>> -> memref<1x64xf32, #tpu.memory_space<hbm>>
      %dma_start3A_582 = tpu.memref_squeeze %dma_start3A_581 : memref<1x64xf32, #tpu.memory_space<hbm>> -> memref<64xf32, #tpu.memory_space<hbm>>
      tpu.enqueue_dma source(%dma_start3A_582 : memref<64xf32, #tpu.memory_space<hbm>>) target(%dma_start3A_579 : memref<64xf32, #tpu.memory_space<vmem>>) target_semaphore(%arg10 : memref<!tpu.dma_semaphore, #tpu.memory_space<semaphore_mem>>)
      %slice3A_583 = vector.extract_strided_slice %get3A_495 {offsets = [5], sizes = [1], strides = [1]} : vector<16xi32> to vector<1xi32>
      %squeeze3A_584 = vector.extract %slice3A_583[0] : i32 from vector<1xi32>
      %mul3A_585 = arith.constant 16 : i32
      %mul3A_586 = arith.muli %scan3A_489, %mul3A_585 : i32
      %add3A_587 = arith.constant 5 : i32
      %add3A_588 = arith.addi %mul3A_586, %add3A_587 : i32
      %dma_start3A_589 = arith.constant 0 : i32
      %dma_start3A_590 = tpu.memref_slice %arg9[%add3A_588, %dma_start3A_589] : memref<512x64xf32, #tpu.memory_space<vmem>> -> memref<1x64xf32, #tpu.memory_space<vmem>>
      %dma_start3A_591 = tpu.memref_squeeze %dma_start3A_590 : memref<1x64xf32, #tpu.memory_space<vmem>> -> memref<64xf32, #tpu.memory_space<vmem>>
      %dma_start3A_592 = arith.constant 0 : i32
      %dma_start3A_593 = tpu.memref_slice %arg4[%squeeze3A_584, %dma_start3A_592] : memref<1000000x64xf32, #tpu.memory_space<hbm>> -> memref<1x64xf32, #tpu.memory_space<hbm>>
      %dma_start3A_594 = tpu.memref_squeeze %dma_start3A_593 : memref<1x64xf32, #tpu.memory_space<hbm>> -> memref<64xf32, #tpu.memory_space<hbm>>
      %dma_start3A_595 = arith.constant 0 : i32
      %dma_start3A_596 = tpu.memref_slice %arg9[%add3A_588, %dma_start3A_595] : memref<512x64xf32, #tpu.memory_space<vmem>> -> memref<1x64xf32, #tpu.memory_space<vmem>>
      %dma_start3A_597 = tpu.memref_squeeze %dma_start3A_596 : memref<1x64xf32, #tpu.memory_space<vmem>> -> memref<64xf32, #tpu.memory_space<vmem>>
      %dma_start3A_598 = arith.constant 0 : i32
      %dma_start3A_599 = tpu.memref_slice %arg4[%squeeze3A_584, %dma_start3A_598] : memref<1000000x64xf32, #tpu.memory_space<hbm>> -> memref<1x64xf32, #tpu.memory_space<hbm>>
      %dma_start3A_600 = tpu.memref_squeeze %dma_start3A_599 : memref<1x64xf32, #tpu.memory_space<hbm>> -> memref<64xf32, #tpu.memory_space<hbm>>
      tpu.enqueue_dma source(%dma_start3A_600 : memref<64xf32, #tpu.memory_space<hbm>>) target(%dma_start3A_597 : memref<64xf32, #tpu.memory_space<vmem>>) target_semaphore(%arg10 : memref<!tpu.dma_semaphore, #tpu.memory_space<semaphore_mem>>)
      %slice3A_601 = vector.extract_strided_slice %get3A_495 {offsets = [6], sizes = [1], strides = [1]} : vector<16xi32> to vector<1xi32>
      %squeeze3A_602 = vector.extract %slice3A_601[0] : i32 from vector<1xi32>
      %mul3A_603 = arith.constant 16 : i32
      %mul3A_604 = arith.muli %scan3A_489, %mul3A_603 : i32
      %add3A_605 = arith.constant 6 : i32
      %add3A_606 = arith.addi %mul3A_604, %add3A_605 : i32
      %dma_start3A_607 = arith.constant 0 : i32
      %dma_start3A_608 = tpu.memref_slice %arg9[%add3A_606, %dma_start3A_607] : memref<512x64xf32, #tpu.memory_space<vmem>> -> memref<1x64xf32, #tpu.memory_space<vmem>>
      %dma_start3A_609 = tpu.memref_squeeze %dma_start3A_608 : memref<1x64xf32, #tpu.memory_space<vmem>> -> memref<64xf32, #tpu.memory_space<vmem>>
      %dma_start3A_610 = arith.constant 0 : i32
      %dma_start3A_611 = tpu.memref_slice %arg4[%squeeze3A_602, %dma_start3A_610] : memref<1000000x64xf32, #tpu.memory_space<hbm>> -> memref<1x64xf32, #tpu.memory_space<hbm>>
      %dma_start3A_612 = tpu.memref_squeeze %dma_start3A_611 : memref<1x64xf32, #tpu.memory_space<hbm>> -> memref<64xf32, #tpu.memory_space<hbm>>
      %dma_start3A_613 = arith.constant 0 : i32
      %dma_start3A_614 = tpu.memref_slice %arg9[%add3A_606, %dma_start3A_613] : memref<512x64xf32, #tpu.memory_space<vmem>> -> memref<1x64xf32, #tpu.memory_space<vmem>>
      %dma_start3A_615 = tpu.memref_squeeze %dma_start3A_614 : memref<1x64xf32, #tpu.memory_space<vmem>> -> memref<64xf32, #tpu.memory_space<vmem>>
      %dma_start3A_616 = arith.constant 0 : i32
      %dma_start3A_617 = tpu.memref_slice %arg4[%squeeze3A_602, %dma_start3A_616] : memref<1000000x64xf32, #tpu.memory_space<hbm>> -> memref<1x64xf32, #tpu.memory_space<hbm>>
      %dma_start3A_618 = tpu.memref_squeeze %dma_start3A_617 : memref<1x64xf32, #tpu.memory_space<hbm>> -> memref<64xf32, #tpu.memory_space<hbm>>
      tpu.enqueue_dma source(%dma_start3A_618 : memref<64xf32, #tpu.memory_space<hbm>>) target(%dma_start3A_615 : memref<64xf32, #tpu.memory_space<vmem>>) target_semaphore(%arg10 : memref<!tpu.dma_semaphore, #tpu.memory_space<semaphore_mem>>)
      %slice3A_619 = vector.extract_strided_slice %get3A_495 {offsets = [7], sizes = [1], strides = [1]} : vector<16xi32> to vector<1xi32>
      %squeeze3A_620 = vector.extract %slice3A_619[0] : i32 from vector<1xi32>
      %mul3A_621 = arith.constant 16 : i32
      %mul3A_622 = arith.muli %scan3A_489, %mul3A_621 : i32
      %add3A_623 = arith.constant 7 : i32
      %add3A_624 = arith.addi %mul3A_622, %add3A_623 : i32
      %dma_start3A_625 = arith.constant 0 : i32
      %dma_start3A_626 = tpu.memref_slice %arg9[%add3A_624, %dma_start3A_625] : memref<512x64xf32, #tpu.memory_space<vmem>> -> memref<1x64xf32, #tpu.memory_space<vmem>>
      %dma_start3A_627 = tpu.memref_squeeze %dma_start3A_626 : memref<1x64xf32, #tpu.memory_space<vmem>> -> memref<64xf32, #tpu.memory_space<vmem>>
      %dma_start3A_628 = arith.constant 0 : i32
      %dma_start3A_629 = tpu.memref_slice %arg4[%squeeze3A_620, %dma_start3A_628] : memref<1000000x64xf32, #tpu.memory_space<hbm>> -> memref<1x64xf32, #tpu.memory_space<hbm>>
      %dma_start3A_630 = tpu.memref_squeeze %dma_start3A_629 : memref<1x64xf32, #tpu.memory_space<hbm>> -> memref<64xf32, #tpu.memory_space<hbm>>
      %dma_start3A_631 = arith.constant 0 : i32
      %dma_start3A_632 = tpu.memref_slice %arg9[%add3A_624, %dma_start3A_631] : memref<512x64xf32, #tpu.memory_space<vmem>> -> memref<1x64xf32, #tpu.memory_space<vmem>>
      %dma_start3A_633 = tpu.memref_squeeze %dma_start3A_632 : memref<1x64xf32, #tpu.memory_space<vmem>> -> memref<64xf32, #tpu.memory_space<vmem>>
      %dma_start3A_634 = arith.constant 0 : i32
      %dma_start3A_635 = tpu.memref_slice %arg4[%squeeze3A_620, %dma_start3A_634] : memref<1000000x64xf32, #tpu.memory_space<hbm>> -> memref<1x64xf32, #tpu.memory_space<hbm>>
      %dma_start3A_636 = tpu.memref_squeeze %dma_start3A_635 : memref<1x64xf32, #tpu.memory_space<hbm>> -> memref<64xf32, #tpu.memory_space<hbm>>
      tpu.enqueue_dma source(%dma_start3A_636 : memref<64xf32, #tpu.memory_space<hbm>>) target(%dma_start3A_633 : memref<64xf32, #tpu.memory_space<vmem>>) target_semaphore(%arg10 : memref<!tpu.dma_semaphore, #tpu.memory_space<semaphore_mem>>)
      %slice3A_637 = vector.extract_strided_slice %get3A_495 {offsets = [8], sizes = [1], strides = [1]} : vector<16xi32> to vector<1xi32>
      %squeeze3A_638 = vector.extract %slice3A_637[0] : i32 from vector<1xi32>
      %mul3A_639 = arith.constant 16 : i32
      %mul3A_640 = arith.muli %scan3A_489, %mul3A_639 : i32
      %add3A_641 = arith.constant 8 : i32
      %add3A_642 = arith.addi %mul3A_640, %add3A_641 : i32
      %dma_start3A_643 = arith.constant 0 : i32
      %dma_start3A_644 = tpu.memref_slice %arg9[%add3A_642, %dma_start3A_643] : memref<512x64xf32, #tpu.memory_space<vmem>> -> memref<1x64xf32, #tpu.memory_space<vmem>>
      %dma_start3A_645 = tpu.memref_squeeze %dma_start3A_644 : memref<1x64xf32, #tpu.memory_space<vmem>> -> memref<64xf32, #tpu.memory_space<vmem>>
      %dma_start3A_646 = arith.constant 0 : i32
      %dma_start3A_647 = tpu.memref_slice %arg4[%squeeze3A_638, %dma_start3A_646] : memref<1000000x64xf32, #tpu.memory_space<hbm>> -> memref<1x64xf32, #tpu.memory_space<hbm>>
      %dma_start3A_648 = tpu.memref_squeeze %dma_start3A_647 : memref<1x64xf32, #tpu.memory_space<hbm>> -> memref<64xf32, #tpu.memory_space<hbm>>
      %dma_start3A_649 = arith.constant 0 : i32
      %dma_start3A_650 = tpu.memref_slice %arg9[%add3A_642, %dma_start3A_649] : memref<512x64xf32, #tpu.memory_space<vmem>> -> memref<1x64xf32, #tpu.memory_space<vmem>>
      %dma_start3A_651 = tpu.memref_squeeze %dma_start3A_650 : memref<1x64xf32, #tpu.memory_space<vmem>> -> memref<64xf32, #tpu.memory_space<vmem>>
      %dma_start3A_652 = arith.constant 0 : i32
      %dma_start3A_653 = tpu.memref_slice %arg4[%squeeze3A_638, %dma_start3A_652] : memref<1000000x64xf32, #tpu.memory_space<hbm>> -> memref<1x64xf32, #tpu.memory_space<hbm>>
      %dma_start3A_654 = tpu.memref_squeeze %dma_start3A_653 : memref<1x64xf32, #tpu.memory_space<hbm>> -> memref<64xf32, #tpu.memory_space<hbm>>
      tpu.enqueue_dma source(%dma_start3A_654 : memref<64xf32, #tpu.memory_space<hbm>>) target(%dma_start3A_651 : memref<64xf32, #tpu.memory_space<vmem>>) target_semaphore(%arg10 : memref<!tpu.dma_semaphore, #tpu.memory_space<semaphore_mem>>)
      %slice3A_655 = vector.extract_strided_slice %get3A_495 {offsets = [9], sizes = [1], strides = [1]} : vector<16xi32> to vector<1xi32>
      %squeeze3A_656 = vector.extract %slice3A_655[0] : i32 from vector<1xi32>
      %mul3A_657 = arith.constant 16 : i32
      %mul3A_658 = arith.muli %scan3A_489, %mul3A_657 : i32
      %add3A_659 = arith.constant 9 : i32
      %add3A_660 = arith.addi %mul3A_658, %add3A_659 : i32
      %dma_start3A_661 = arith.constant 0 : i32
      %dma_start3A_662 = tpu.memref_slice %arg9[%add3A_660, %dma_start3A_661] : memref<512x64xf32, #tpu.memory_space<vmem>> -> memref<1x64xf32, #tpu.memory_space<vmem>>
      %dma_start3A_663 = tpu.memref_squeeze %dma_start3A_662 : memref<1x64xf32, #tpu.memory_space<vmem>> -> memref<64xf32, #tpu.memory_space<vmem>>
      %dma_start3A_664 = arith.constant 0 : i32
      %dma_start3A_665 = tpu.memref_slice %arg4[%squeeze3A_656, %dma_start3A_664] : memref<1000000x64xf32, #tpu.memory_space<hbm>> -> memref<1x64xf32, #tpu.memory_space<hbm>>
      %dma_start3A_666 = tpu.memref_squeeze %dma_start3A_665 : memref<1x64xf32, #tpu.memory_space<hbm>> -> memref<64xf32, #tpu.memory_space<hbm>>
      %dma_start3A_667 = arith.constant 0 : i32
      %dma_start3A_668 = tpu.memref_slice %arg9[%add3A_660, %dma_start3A_667] : memref<512x64xf32, #tpu.memory_space<vmem>> -> memref<1x64xf32, #tpu.memory_space<vmem>>
      %dma_start3A_669 = tpu.memref_squeeze %dma_start3A_668 : memref<1x64xf32, #tpu.memory_space<vmem>> -> memref<64xf32, #tpu.memory_space<vmem>>
      %dma_start3A_670 = arith.constant 0 : i32
      %dma_start3A_671 = tpu.memref_slice %arg4[%squeeze3A_656, %dma_start3A_670] : memref<1000000x64xf32, #tpu.memory_space<hbm>> -> memref<1x64xf32, #tpu.memory_space<hbm>>
      %dma_start3A_672 = tpu.memref_squeeze %dma_start3A_671 : memref<1x64xf32, #tpu.memory_space<hbm>> -> memref<64xf32, #tpu.memory_space<hbm>>
      tpu.enqueue_dma source(%dma_start3A_672 : memref<64xf32, #tpu.memory_space<hbm>>) target(%dma_start3A_669 : memref<64xf32, #tpu.memory_space<vmem>>) target_semaphore(%arg10 : memref<!tpu.dma_semaphore, #tpu.memory_space<semaphore_mem>>)
      %slice3A_673 = vector.extract_strided_slice %get3A_495 {offsets = [10], sizes = [1], strides = [1]} : vector<16xi32> to vector<1xi32>
      %squeeze3A_674 = vector.extract %slice3A_673[0] : i32 from vector<1xi32>
      %mul3A_675 = arith.constant 16 : i32
      %mul3A_676 = arith.muli %scan3A_489, %mul3A_675 : i32
      %add3A_677 = arith.constant 10 : i32
      %add3A_678 = arith.addi %mul3A_676, %add3A_677 : i32
      %dma_start3A_679 = arith.constant 0 : i32
      %dma_start3A_680 = tpu.memref_slice %arg9[%add3A_678, %dma_start3A_679] : memref<512x64xf32, #tpu.memory_space<vmem>> -> memref<1x64xf32, #tpu.memory_space<vmem>>
      %dma_start3A_681 = tpu.memref_squeeze %dma_start3A_680 : memref<1x64xf32, #tpu.memory_space<vmem>> -> memref<64xf32, #tpu.memory_space<vmem>>
      %dma_start3A_682 = arith.constant 0 : i32
      %dma_start3A_683 = tpu.memref_slice %arg4[%squeeze3A_674, %dma_start3A_682] : memref<1000000x64xf32, #tpu.memory_space<hbm>> -> memref<1x64xf32, #tpu.memory_space<hbm>>
      %dma_start3A_684 = tpu.memref_squeeze %dma_start3A_683 : memref<1x64xf32, #tpu.memory_space<hbm>> -> memref<64xf32, #tpu.memory_space<hbm>>
      %dma_start3A_685 = arith.constant 0 : i32
      %dma_start3A_686 = tpu.memref_slice %arg9[%add3A_678, %dma_start3A_685] : memref<512x64xf32, #tpu.memory_space<vmem>> -> memref<1x64xf32, #tpu.memory_space<vmem>>
      %dma_start3A_687 = tpu.memref_squeeze %dma_start3A_686 : memref<1x64xf32, #tpu.memory_space<vmem>> -> memref<64xf32, #tpu.memory_space<vmem>>
      %dma_start3A_688 = arith.constant 0 : i32
      %dma_start3A_689 = tpu.memref_slice %arg4[%squeeze3A_674, %dma_start3A_688] : memref<1000000x64xf32, #tpu.memory_space<hbm>> -> memref<1x64xf32, #tpu.memory_space<hbm>>
      %dma_start3A_690 = tpu.memref_squeeze %dma_start3A_689 : memref<1x64xf32, #tpu.memory_space<hbm>> -> memref<64xf32, #tpu.memory_space<hbm>>
      tpu.enqueue_dma source(%dma_start3A_690 : memref<64xf32, #tpu.memory_space<hbm>>) target(%dma_start3A_687 : memref<64xf32, #tpu.memory_space<vmem>>) target_semaphore(%arg10 : memref<!tpu.dma_semaphore, #tpu.memory_space<semaphore_mem>>)
      %slice3A_691 = vector.extract_strided_slice %get3A_495 {offsets = [11], sizes = [1], strides = [1]} : vector<16xi32> to vector<1xi32>
      %squeeze3A_692 = vector.extract %slice3A_691[0] : i32 from vector<1xi32>
      %mul3A_693 = arith.constant 16 : i32
      %mul3A_694 = arith.muli %scan3A_489, %mul3A_693 : i32
      %add3A_695 = arith.constant 11 : i32
      %add3A_696 = arith.addi %mul3A_694, %add3A_695 : i32
      %dma_start3A_697 = arith.constant 0 : i32
      %dma_start3A_698 = tpu.memref_slice %arg9[%add3A_696, %dma_start3A_697] : memref<512x64xf32, #tpu.memory_space<vmem>> -> memref<1x64xf32, #tpu.memory_space<vmem>>
      %dma_start3A_699 = tpu.memref_squeeze %dma_start3A_698 : memref<1x64xf32, #tpu.memory_space<vmem>> -> memref<64xf32, #tpu.memory_space<vmem>>
      %dma_start3A_700 = arith.constant 0 : i32
      %dma_start3A_701 = tpu.memref_slice %arg4[%squeeze3A_692, %dma_start3A_700] : memref<1000000x64xf32, #tpu.memory_space<hbm>> -> memref<1x64xf32, #tpu.memory_space<hbm>>
      %dma_start3A_702 = tpu.memref_squeeze %dma_start3A_701 : memref<1x64xf32, #tpu.memory_space<hbm>> -> memref<64xf32, #tpu.memory_space<hbm>>
      %dma_start3A_703 = arith.constant 0 : i32
      %dma_start3A_704 = tpu.memref_slice %arg9[%add3A_696, %dma_start3A_703] : memref<512x64xf32, #tpu.memory_space<vmem>> -> memref<1x64xf32, #tpu.memory_space<vmem>>
      %dma_start3A_705 = tpu.memref_squeeze %dma_start3A_704 : memref<1x64xf32, #tpu.memory_space<vmem>> -> memref<64xf32, #tpu.memory_space<vmem>>
      %dma_start3A_706 = arith.constant 0 : i32
      %dma_start3A_707 = tpu.memref_slice %arg4[%squeeze3A_692, %dma_start3A_706] : memref<1000000x64xf32, #tpu.memory_space<hbm>> -> memref<1x64xf32, #tpu.memory_space<hbm>>
      %dma_start3A_708 = tpu.memref_squeeze %dma_start3A_707 : memref<1x64xf32, #tpu.memory_space<hbm>> -> memref<64xf32, #tpu.memory_space<hbm>>
      tpu.enqueue_dma source(%dma_start3A_708 : memref<64xf32, #tpu.memory_space<hbm>>) target(%dma_start3A_705 : memref<64xf32, #tpu.memory_space<vmem>>) target_semaphore(%arg10 : memref<!tpu.dma_semaphore, #tpu.memory_space<semaphore_mem>>)
      %slice3A_709 = vector.extract_strided_slice %get3A_495 {offsets = [12], sizes = [1], strides = [1]} : vector<16xi32> to vector<1xi32>
      %squeeze3A_710 = vector.extract %slice3A_709[0] : i32 from vector<1xi32>
      %mul3A_711 = arith.constant 16 : i32
      %mul3A_712 = arith.muli %scan3A_489, %mul3A_711 : i32
      %add3A_713 = arith.constant 12 : i32
      %add3A_714 = arith.addi %mul3A_712, %add3A_713 : i32
      %dma_start3A_715 = arith.constant 0 : i32
      %dma_start3A_716 = tpu.memref_slice %arg9[%add3A_714, %dma_start3A_715] : memref<512x64xf32, #tpu.memory_space<vmem>> -> memref<1x64xf32, #tpu.memory_space<vmem>>
      %dma_start3A_717 = tpu.memref_squeeze %dma_start3A_716 : memref<1x64xf32, #tpu.memory_space<vmem>> -> memref<64xf32, #tpu.memory_space<vmem>>
      %dma_start3A_718 = arith.constant 0 : i32
      %dma_start3A_719 = tpu.memref_slice %arg4[%squeeze3A_710, %dma_start3A_718] : memref<1000000x64xf32, #tpu.memory_space<hbm>> -> memref<1x64xf32, #tpu.memory_space<hbm>>
      %dma_start3A_720 = tpu.memref_squeeze %dma_start3A_719 : memref<1x64xf32, #tpu.memory_space<hbm>> -> memref<64xf32, #tpu.memory_space<hbm>>
      %dma_start3A_721 = arith.constant 0 : i32
      %dma_start3A_722 = tpu.memref_slice %arg9[%add3A_714, %dma_start3A_721] : memref<512x64xf32, #tpu.memory_space<vmem>> -> memref<1x64xf32, #tpu.memory_space<vmem>>
      %dma_start3A_723 = tpu.memref_squeeze %dma_start3A_722 : memref<1x64xf32, #tpu.memory_space<vmem>> -> memref<64xf32, #tpu.memory_space<vmem>>
      %dma_start3A_724 = arith.constant 0 : i32
      %dma_start3A_725 = tpu.memref_slice %arg4[%squeeze3A_710, %dma_start3A_724] : memref<1000000x64xf32, #tpu.memory_space<hbm>> -> memref<1x64xf32, #tpu.memory_space<hbm>>
      %dma_start3A_726 = tpu.memref_squeeze %dma_start3A_725 : memref<1x64xf32, #tpu.memory_space<hbm>> -> memref<64xf32, #tpu.memory_space<hbm>>
      tpu.enqueue_dma source(%dma_start3A_726 : memref<64xf32, #tpu.memory_space<hbm>>) target(%dma_start3A_723 : memref<64xf32, #tpu.memory_space<vmem>>) target_semaphore(%arg10 : memref<!tpu.dma_semaphore, #tpu.memory_space<semaphore_mem>>)
      %slice3A_727 = vector.extract_strided_slice %get3A_495 {offsets = [13], sizes = [1], strides = [1]} : vector<16xi32> to vector<1xi32>
      %squeeze3A_728 = vector.extract %slice3A_727[0] : i32 from vector<1xi32>
      %mul3A_729 = arith.constant 16 : i32
      %mul3A_730 = arith.muli %scan3A_489, %mul3A_729 : i32
      %add3A_731 = arith.constant 13 : i32
      %add3A_732 = arith.addi %mul3A_730, %add3A_731 : i32
      %dma_start3A_733 = arith.constant 0 : i32
      %dma_start3A_734 = tpu.memref_slice %arg9[%add3A_732, %dma_start3A_733] : memref<512x64xf32, #tpu.memory_space<vmem>> -> memref<1x64xf32, #tpu.memory_space<vmem>>
      %dma_start3A_735 = tpu.memref_squeeze %dma_start3A_734 : memref<1x64xf32, #tpu.memory_space<vmem>> -> memref<64xf32, #tpu.memory_space<vmem>>
      %dma_start3A_736 = arith.constant 0 : i32
      %dma_start3A_737 = tpu.memref_slice %arg4[%squeeze3A_728, %dma_start3A_736] : memref<1000000x64xf32, #tpu.memory_space<hbm>> -> memref<1x64xf32, #tpu.memory_space<hbm>>
      %dma_start3A_738 = tpu.memref_squeeze %dma_start3A_737 : memref<1x64xf32, #tpu.memory_space<hbm>> -> memref<64xf32, #tpu.memory_space<hbm>>
      %dma_start3A_739 = arith.constant 0 : i32
      %dma_start3A_740 = tpu.memref_slice %arg9[%add3A_732, %dma_start3A_739] : memref<512x64xf32, #tpu.memory_space<vmem>> -> memref<1x64xf32, #tpu.memory_space<vmem>>
      %dma_start3A_741 = tpu.memref_squeeze %dma_start3A_740 : memref<1x64xf32, #tpu.memory_space<vmem>> -> memref<64xf32, #tpu.memory_space<vmem>>
      %dma_start3A_742 = arith.constant 0 : i32
      %dma_start3A_743 = tpu.memref_slice %arg4[%squeeze3A_728, %dma_start3A_742] : memref<1000000x64xf32, #tpu.memory_space<hbm>> -> memref<1x64xf32, #tpu.memory_space<hbm>>
      %dma_start3A_744 = tpu.memref_squeeze %dma_start3A_743 : memref<1x64xf32, #tpu.memory_space<hbm>> -> memref<64xf32, #tpu.memory_space<hbm>>
      tpu.enqueue_dma source(%dma_start3A_744 : memref<64xf32, #tpu.memory_space<hbm>>) target(%dma_start3A_741 : memref<64xf32, #tpu.memory_space<vmem>>) target_semaphore(%arg10 : memref<!tpu.dma_semaphore, #tpu.memory_space<semaphore_mem>>)
      %slice3A_745 = vector.extract_strided_slice %get3A_495 {offsets = [14], sizes = [1], strides = [1]} : vector<16xi32> to vector<1xi32>
      %squeeze3A_746 = vector.extract %slice3A_745[0] : i32 from vector<1xi32>
      %mul3A_747 = arith.constant 16 : i32
      %mul3A_748 = arith.muli %scan3A_489, %mul3A_747 : i32
      %add3A_749 = arith.constant 14 : i32
      %add3A_750 = arith.addi %mul3A_748, %add3A_749 : i32
      %dma_start3A_751 = arith.constant 0 : i32
      %dma_start3A_752 = tpu.memref_slice %arg9[%add3A_750, %dma_start3A_751] : memref<512x64xf32, #tpu.memory_space<vmem>> -> memref<1x64xf32, #tpu.memory_space<vmem>>
      %dma_start3A_753 = tpu.memref_squeeze %dma_start3A_752 : memref<1x64xf32, #tpu.memory_space<vmem>> -> memref<64xf32, #tpu.memory_space<vmem>>
      %dma_start3A_754 = arith.constant 0 : i32
      %dma_start3A_755 = tpu.memref_slice %arg4[%squeeze3A_746, %dma_start3A_754] : memref<1000000x64xf32, #tpu.memory_space<hbm>> -> memref<1x64xf32, #tpu.memory_space<hbm>>
      %dma_start3A_756 = tpu.memref_squeeze %dma_start3A_755 : memref<1x64xf32, #tpu.memory_space<hbm>> -> memref<64xf32, #tpu.memory_space<hbm>>
      %dma_start3A_757 = arith.constant 0 : i32
      %dma_start3A_758 = tpu.memref_slice %arg9[%add3A_750, %dma_start3A_757] : memref<512x64xf32, #tpu.memory_space<vmem>> -> memref<1x64xf32, #tpu.memory_space<vmem>>
      %dma_start3A_759 = tpu.memref_squeeze %dma_start3A_758 : memref<1x64xf32, #tpu.memory_space<vmem>> -> memref<64xf32, #tpu.memory_space<vmem>>
      %dma_start3A_760 = arith.constant 0 : i32
      %dma_start3A_761 = tpu.memref_slice %arg4[%squeeze3A_746, %dma_start3A_760] : memref<1000000x64xf32, #tpu.memory_space<hbm>> -> memref<1x64xf32, #tpu.memory_space<hbm>>
      %dma_start3A_762 = tpu.memref_squeeze %dma_start3A_761 : memref<1x64xf32, #tpu.memory_space<hbm>> -> memref<64xf32, #tpu.memory_space<hbm>>
      tpu.enqueue_dma source(%dma_start3A_762 : memref<64xf32, #tpu.memory_space<hbm>>) target(%dma_start3A_759 : memref<64xf32, #tpu.memory_space<vmem>>) target_semaphore(%arg10 : memref<!tpu.dma_semaphore, #tpu.memory_space<semaphore_mem>>)
      %slice3A_763 = vector.extract_strided_slice %get3A_495 {offsets = [15], sizes = [1], strides = [1]} : vector<16xi32> to vector<1xi32>
      %squeeze3A_764 = vector.extract %slice3A_763[0] : i32 from vector<1xi32>
      %mul3A_765 = arith.constant 16 : i32
      %mul3A_766 = arith.muli %scan3A_489, %mul3A_765 : i32
      %add3A_767 = arith.constant 15 : i32
      %add3A_768 = arith.addi %mul3A_766, %add3A_767 : i32
      %dma_start3A_769 = arith.constant 0 : i32
      %dma_start3A_770 = tpu.memref_slice %arg9[%add3A_768, %dma_start3A_769] : memref<512x64xf32, #tpu.memory_space<vmem>> -> memref<1x64xf32, #tpu.memory_space<vmem>>
      %dma_start3A_771 = tpu.memref_squeeze %dma_start3A_770 : memref<1x64xf32, #tpu.memory_space<vmem>> -> memref<64xf32, #tpu.memory_space<vmem>>
      %dma_start3A_772 = arith.constant 0 : i32
      %dma_start3A_773 = tpu.memref_slice %arg4[%squeeze3A_764, %dma_start3A_772] : memref<1000000x64xf32, #tpu.memory_space<hbm>> -> memref<1x64xf32, #tpu.memory_space<hbm>>
      %dma_start3A_774 = tpu.memref_squeeze %dma_start3A_773 : memref<1x64xf32, #tpu.memory_space<hbm>> -> memref<64xf32, #tpu.memory_space<hbm>>
      %dma_start3A_775 = arith.constant 0 : i32
      %dma_start3A_776 = tpu.memref_slice %arg9[%add3A_768, %dma_start3A_775] : memref<512x64xf32, #tpu.memory_space<vmem>> -> memref<1x64xf32, #tpu.memory_space<vmem>>
      %dma_start3A_777 = tpu.memref_squeeze %dma_start3A_776 : memref<1x64xf32, #tpu.memory_space<vmem>> -> memref<64xf32, #tpu.memory_space<vmem>>
      %dma_start3A_778 = arith.constant 0 : i32
      %dma_start3A_779 = tpu.memref_slice %arg4[%squeeze3A_764, %dma_start3A_778] : memref<1000000x64xf32, #tpu.memory_space<hbm>> -> memref<1x64xf32, #tpu.memory_space<hbm>>
      %dma_start3A_780 = tpu.memref_squeeze %dma_start3A_779 : memref<1x64xf32, #tpu.memory_space<hbm>> -> memref<64xf32, #tpu.memory_space<hbm>>
      tpu.enqueue_dma source(%dma_start3A_780 : memref<64xf32, #tpu.memory_space<hbm>>) target(%dma_start3A_777 : memref<64xf32, #tpu.memory_space<vmem>>) target_semaphore(%arg10 : memref<!tpu.dma_semaphore, #tpu.memory_space<semaphore_mem>>)
      %scan3A_781 = arith.constant 0 : i32
      scf.yield %scan3A_781 : i32
    }
    %scan3A_485 = arith.constant 32 : i32
    %dma_wait3A = arith.constant 0 : i32
    %dma_wait3A_486 = tpu.memref_slice %arg5[%mul3A_2, %dma_wait3A] : memref<16384x64xf32, #tpu.memory_space<hbm>> -> memref<512x64xf32, #tpu.memory_space<hbm>>
    %dma_wait3A_487 = arith.constant 0 : i32
    %dma_wait3A_488 = tpu.memref_slice %arg5[%mul3A_2, %dma_wait3A_487] : memref<16384x64xf32, #tpu.memory_space<hbm>> -> memref<512x64xf32, #tpu.memory_space<hbm>>
    tpu.wait_dma2 semaphore(%arg10 : memref<!tpu.dma_semaphore, #tpu.memory_space<semaphore_mem>>) src(%dma_wait3A_488 : memref<512x64xf32, #tpu.memory_space<hbm>>) dst(%arg9 : memref<512x64xf32, #tpu.memory_space<vmem>>)
    "tpu.region"() ({
      %run_scoped3A = tpu.sem_alloc : memref<!tpu.dma_semaphore, #tpu.memory_space<semaphore_mem>>
      %dma_start3A = arith.constant 0 : i32
      %dma_start3A_489 = tpu.memref_slice %arg5[%mul3A_2, %dma_start3A] : memref<16384x64xf32, #tpu.memory_space<hbm>> -> memref<512x64xf32, #tpu.memory_space<hbm>>
      %dma_start3A_490 = arith.constant 0 : i32
      %dma_start3A_491 = tpu.memref_slice %arg5[%mul3A_2, %dma_start3A_490] : memref<16384x64xf32, #tpu.memory_space<hbm>> -> memref<512x64xf32, #tpu.memory_space<hbm>>
      tpu.enqueue_dma source(%arg9 : memref<512x64xf32, #tpu.memory_space<vmem>>) target(%dma_start3A_491 : memref<512x64xf32, #tpu.memory_space<hbm>>) target_semaphore(%run_scoped3A : memref<!tpu.dma_semaphore, #tpu.memory_space<semaphore_mem>>)
      %dma_wait3A_492 = arith.constant 0 : i32
      %dma_wait3A_493 = tpu.memref_slice %arg5[%mul3A_2, %dma_wait3A_492] : memref<16384x64xf32, #tpu.memory_space<hbm>> -> memref<512x64xf32, #tpu.memory_space<hbm>>
      %dma_wait3A_494 = arith.constant 0 : i32
      %dma_wait3A_495 = tpu.memref_slice %arg5[%mul3A_2, %dma_wait3A_494] : memref<16384x64xf32, #tpu.memory_space<hbm>> -> memref<512x64xf32, #tpu.memory_space<hbm>>
      tpu.wait_dma2 semaphore(%run_scoped3A : memref<!tpu.dma_semaphore, #tpu.memory_space<semaphore_mem>>) src(%arg9 : memref<512x64xf32, #tpu.memory_space<vmem>>) dst(%dma_wait3A_495 : memref<512x64xf32, #tpu.memory_space<hbm>>)
      tpu.yield
    }) : () -> ()
    return
  }
}

</mosaic_0001>

<sc_bundles>
// kernel: kernel.3.cloned.1.call-start
scs
__scs_entry_jumppad:
0x0: {  	(pc) =	sbr.rel $0x88, $3  }
0x1: {  	(tag) =	ssettag $0x0;
	lr =	simm.s32 $0x1  }
0x2: {  	[smem:$0x3F9F] =	sst lr;
	_ =	strace $0xD0000000  }
0x3: {  	_ = 	snop  }
0x4: {  	_ = 	snop  }
0x5: {  	_ = 	snop  }
0x6: {  	_ = 	snop  }
0x7: {  	_ = 	snop  }
__scs_overlays_trampoline_lowered:
0x8: {  	[smem:$0x3FAE] =	sst s0  }
0x9: {  	[smem:$0x3FAF] =	sst s1  }
0xa: {  	[smem:$0x3FB0] =	sst s2  }
0xb: {  	[smem:$0x3FB1] =	sst s3  }
0xc: {  	[smem:$0x3FB2] =	sst s4  }
0xd: {  	[smem:$0x3FB3] =	sst s5  }
0xe: {  	[smem:$0x3FB4] =	sst s6  }
0xf: {  	[smem:$0x3FB5] =	sst s7  }
0x10: {  	[smem:$0x3FB6] =	sst s8  }
0x11: {  	[smem:$0x3FB7] =	sst s9;
	s0 =	simm.s32 @!p0 $0x0  }
0x12: {  	s1 =	sld [smem:$0x3F9D];
	s0 =	simm.s32 @p0 $0x1  }
0x13: {  	[smem:$0x3FB8] =	sst s0;
	s0 =	simm.s32 @!p1 $0x0  }
0x14: {  	s2 =	sld [smem:$0x3F9C];
	s0 =	simm.s32 @p1 $0x1  }
0x15: {  	[smem:$0x3FB9] =	sst s0;
	s0 =	simm.s32 @!p2 $0x0  }
0x16: {  	s3 =	sld [smem:$0x3FDB];
	s0 =	simm.s32 @p2 $0x1  }
0x17: {  	s4 =	simm.s32 $0x1BF5;
	[smem:$0x3FBB] =	sst s0  }
0x18: {  	s0 =	sld [smem:$0x3F9E];
	_ =	swait.ge [sflag:s4], $0x0  }
0x19: {  	s7 =	sld [smem:$0x3F9F]  }
0x1a: {  	s8 =	sadd.s32 $0xFFFFE003, lr  }
0x1b: {  	s9 =	sadd.s32 $0xFFFFFEF7, lr;
	s5 =	simm.s32 $0xFFFFFFFF;
	p2 =	slt.u32 s8, $0xFFFFF086  }
0x1c: {  	p1 =	slt.u32 s9, $0xF7A;
	s5 =	simm.s32 @!p2 $0x0  }
0x1d: {  	s5 =	simm.s32 @p1 $0x1;
	p0 =	seq.s32 s7, s2  }
0x1e: {  	s7 =	smul.u32 @!p0 $0xF7A, s2;
	p2 =	seq.s32 @!p0 s5, $0x0  }
0x1f: {  	s9 =	smul.u32 $0xF7A, s1;
	s8 =	simm.s32 @!p0 $0x1BF5;
	p2 =	por !p2, p0  }
0x20: {  	[sflag:s8] =	ssyncset.s32 @!p0 $0xFFFFF086;
	s6 =	sadd.s32 @!p0 s3, s7;
	s7 =	simm.s32 @!p0 $0x108  }
0x21: {  	s3 =	sadd.s32 s3, s9;
	s6 =	sadd.s32 @!p0 $0x88, s6;
	s7 =	simm.s32 @p2 $0x1082  }
0x22: {  	[simem:s7], [sflag:s8] =	dma.local @!p0 [hbm:s6], $0xF7A  }
0x23: {  	s9 =	sor.u32 $0xD0000000, s2;
	s6 =	simm.s32 $0x108;
	_ =	swait.ge @!p0 [sflag:s8], $0x0  }
0x24: {  	s3 =	sadd.s32 $0x88, s3;
	s6 =	simm.s32 @!p1 $0x1082;
	[sflag:s4] =	ssyncset.s32 $0xFFFFF086  }
0x25: {  	[simem:s6], [sflag:s4] =	dma.local [hbm:s3], $0xF7A  }
0x26: {  	[smem:$0x3F9F] =	sst s1;
	(tag) =	ssettag s2;
	_ =	strace s9  }
0x27: {  	s1 =	sld [smem:$0x3FAF]  }
0x28: {  	s2 =	sld [smem:$0x3FB0]  }
0x29: {  	s4 =	sld [smem:$0x3FB2]  }
0x2a: {  	p0 =	seq.s32 s5, $0x0;
	s5 =	sld [smem:$0x3FB3]  }
0x2b: {  	s6 =	sld [smem:$0x3FB4]  }
0x2c: {  	s7 =	sld [smem:$0x3FB5]  }
0x2d: {  	s3 =	simm.s32 $0x108;
	s8 =	sld [smem:$0x3FB6]  }
0x2e: {  	s3 =	simm.s32 @!p0 $0x1082;
	s9 =	sld [smem:$0x3FB7]  }
0x2f: {  	lr =	sadd.s32 s0, s3;
	s0 =	sld [smem:$0x3FAE]  }
0x30: {  	s3 =	sld [smem:$0x3FB1]  }
0x31: {  	[smem:$0x3FBA] =	sst s10  }
0x32: {  	s10 =	sld [smem:$0x3FB8];
	_ =	sdelay $0x3  }
0x33: {  	p0 =	seq.s32 s10, $0x1;
	s10 =	sld [smem:$0x3FBA];
	_ =	sdelay $0x3  }
0x34: {  	[smem:$0x3FBA] =	sst s10  }
0x35: {  	s10 =	sld [smem:$0x3FB9];
	_ =	sdelay $0x3  }
0x36: {  	p1 =	seq.s32 s10, $0x1;
	s10 =	sld [smem:$0x3FBA];
	_ =	sdelay $0x3  }
0x37: {  	[smem:$0x3FBA] =	sst s10  }
0x38: {  	s10 =	sld [smem:$0x3FBB]  }
0x39: {  	_ = 	snop;
	(pc) =	sbr.ind lr, $3  }
0x3a: {  	_ = 	snop  }
0x3b: {  	_ = 	snop  }
0x3c: {  	p2 =	seq.s32 s10, $0x1;
	s10 =	sld [smem:$0x3FBA]  }
0x3d: {  	_ =	shalt  }
0x3e: {  	_ =	shalt  }
0x3f: {  	_ =	shalt  }
0x40: {  	_ =	shalt  }
0x41: {  	_ =	shalt  }
0x42: {  	_ =	shalt  }
0x43: {  	_ =	shalt  }
0x44: {  	_ =	shalt  }
0x45: {  	_ =	shalt  }
0x46: {  	_ =	shalt  }
0x47: {  	_ =	shalt  }
0x48: {  	_ =	shalt  }
0x49: {  	_ =	shalt  }
0x4a: {  	_ =	shalt  }
0x4b: {  	_ =	shalt  }
0x4c: {  	_ =	shalt  }
0x4d: {  	_ =	shalt  }
0x4e: {  	_ =	shalt  }
0x4f: {  	_ =	shalt  }
0x50: {  	_ =	shalt  }
0x51: {  	_ =	shalt  }
0x52: {  	_ =	shalt  }
0x53: {  	_ =	shalt  }
0x54: {  	_ =	shalt  }
0x55: {  	_ =	shalt  }
0x56: {  	_ =	shalt  }
0x57: {  	_ =	shalt  }
0x58: {  	_ =	shalt  }
0x59: {  	_ =	shalt  }
0x5a: {  	_ =	shalt  }
0x5b: {  	_ =	shalt  }
0x5c: {  	_ =	shalt  }
0x5d: {  	_ =	shalt  }
0x5e: {  	_ =	shalt  }
0x5f: {  	_ =	shalt  }
0x60: {  	_ =	shalt  }
0x61: {  	_ =	shalt  }
0x62: {  	_ =	shalt  }
0x63: {  	_ =	shalt  }
0x64: {  	_ =	shalt  }
0x65: {  	_ =	shalt  }
0x66: {  	_ =	shalt  }
0x67: {  	_ =	shalt  }
0x68: {  	_ =	shalt  }
0x69: {  	_ =	shalt  }
0x6a: {  	_ =	shalt  }
0x6b: {  	_ =	shalt  }
0x6c: {  	_ =	shalt  }
0x6d: {  	_ =	shalt  }
0x6e: {  	_ =	shalt  }
0x6f: {  	_ =	shalt  }
0x70: {  	_ =	shalt  }
0x71: {  	_ =	shalt  }
0x72: {  	_ =	shalt  }
0x73: {  	_ =	shalt  }
0x74: {  	_ =	shalt  }
0x75: {  	_ =	shalt  }
0x76: {  	_ =	shalt  }
0x77: {  	_ =	shalt  }
0x78: {  	_ =	shalt  }
0x79: {  	_ =	shalt  }
0x7a: {  	_ =	shalt  }
0x7b: {  	_ =	shalt  }
0x7c: {  	_ =	shalt  }
0x7d: {  	_ =	shalt  }
0x7e: {  	_ =	shalt  }
0x7f: {  	_ =	shalt  }
0x80: {  	_ =	shalt  }
0x81: {  	_ =	shalt  }
0x82: {  	_ =	shalt  }
0x83: {  	_ =	shalt  }
0x84: {  	_ =	shalt  }
0x85: {  	_ =	shalt  }
0x86: {  	_ =	shalt  }
0x87: {  	_ =	shalt  }
.Lfunc_end0:
.L_simem_size_0:
called_computation_lowered:
.L_overlay_start_0:
0x88: {  	s2 =	sld [smem:$0x3FD9]  }
0x89: {  	s3 =	sld [smem:$0x3FFE];
	_ =	sdelay $0x1  }
0x8a: {  	s1 =	srdreg.scid  }
0x8b: {  	s0 =	sand.u32 $0x1, s1  }
0x8c: {  	s17 =	sshll.u32 s0, $0xA;
	s2 =	sadd.s32 s3, s2  }
0x8d: {  	s2 =	sadd.s32 s2, s17  }
0x8e: {  	[smem:$0x3FC6] =	sst s2  }
0x8f: {  	_ = 	snop  }
0x90: {  	s2 =	sld [smem:$0x3FD0];
	(tm) =	ssettm $0x1  }
0x91: {  	s18 =	sld [smem:$0x3FFB];
	_ =	sdelay $0x3  }
0x92: {  	_ =	strace s18  }
0x93: {  	s3 =	sld [smem:$0x3FFC];
	_ =	sdelay $0x3  }
0x94: {  	_ =	strace s3  }
0x95: {  	s3 =	sld [smem:$0x3FFD];
	_ =	sdelay $0x3  }
0x96: {  	_ =	strace s3  }
0x97: {  	_ =	strace $0x8FFFFFFF  }
0x98: {  	s19 =	sld [smem:$0x3FDB];
	_ =	sdelay $0x1  }
0x99: {  	s4 =	simm.s32 $_scs_section_size  }
0x9a: {  	s5 =	simm.s32 $_size__tile_overlayer_lowered;
	s6 =	simm.s32 $_tile_overlayer_lowered  }
0x9b: {  	s22 =	simm.s32 $0x1BFF;
	s21 =	sshll.u32 s6, $0x1;
	s3 =	sadd.s32 s4, s19  }
0x9c: {  	s7 =	simm.s32 $0x0;
	s20 =	sshll.u32 s5, $0x1;
	s5 =	sadd.s32 s21, s3  }
0x9d: {  	[timem:s7], [sflag:s22] =	dma.local [hbm:s5], s20  }
0x9e: {  	_ =	swait.ge [sflag:s22], s20  }
0x9f: {  	s4 =	ssub.s32 $0x0, s20;
	[sflag:s22] =	ssyncset.done $0x0  }
0xa0: {  	[sflag:s22] =	ssyncadd.s32 s4;
	_ =	sdelay $0x1  }
0xa1: {  	s23 =	simm.s32 $0x1B8B  }
0xa2: {  	_ =	swait.ge [sflag:s23], $0x1  }
0xa3: {  	[sflag:s23] =	ssyncset.done $0x0  }
0xa4: {  	s25 =	simm.s32 $0x1B8E;
	s24 =	sld [smem:$0x3FFE];
	[sflag:s23] =	ssyncadd.s32 $0xFFFFFFFF  }
0xa5: {  	s26 =	simm.s32 $execute0_lowered;
	[smem:$0x3FD2] =	sst s25  }
0xa6: {  	s5 =	sshll.u32 s26, $0x1;
	_ =	strace $0x80000046;
	[dreg:$0x1] =	wrdreg $0xFFFFFFFF  }
0xa7: {  	s28 =	simm.s32 $_size_execute0_lowered;
	s3 =	sadd.s32 s3, s5;
	[dreg:$0x0] =	wrdreg $0x0  }
0xa8: {  	s5 =	sshll.u32 s28, $0x1;
	[dreg:$0x2] =	wrdreg s3  }
0xa9: {  	[dreg:$0x3] =	wrdreg s5  }
0xaa: {  	[dreg:$0x4] =	wrdreg $0xC0  }
0xab: {  	_ =	task [dreg:s7], $0x5FFFF  }
0xac: {  	[dreg:$0x1] =	wrdreg $0xFFFFFFFF  }
0xad: {  	[dreg:$0x0] =	wrdreg $0x60  }
0xae: {  	[dreg:$0x2] =	wrdreg s24  }
0xaf: {  	[dreg:$0x3] =	wrdreg s2  }
0xb0: {  	[dreg:$0x4] =	wrdreg $0x9  }
0xb1: {  	_ =	task.clear_ibuf [dreg:s7], $0x5FFFF;
	_ =	strace $0x90000046  }
0xb2: {  	s29 =	simm.s32 $0x9;
	_ =	strace $0x80000048  }
0xb3: {  	_ =	swait.ge [sflag:s29], $0x1  }
0xb4: {  	[sflag:s29] =	ssyncadd.s32 $0xFFFFFFFF  }
0xb5: {  	_ =	strace $0x90000048  }
0xb6: {  	_ =	sfence  }
0xb7: {  	s30 =	sld [smem:$0x0];
	_ =	sdelay $0x2  }
0xb8: {  	s31 =	sshll.u32 s1, $0xD;
	s1 =	sshrl.u32 s1, $0x2  }
0xb9: {  	s3 =	sand.u32 $0x4000, s31;
	s1 =	sadd.s32 s1, s30  }
0xba: {  	s0 =	sor.u32 s3, s0;
	s1 =	sshll.u32 s1, $0x11  }
0xbb: {  	s0 =	sor.u32 s1, s0  }
0xbc: {  	s0 =	sadd.s32 $0x8F2B, s0  }
0xbd: {  	[sflag:s0] =	ssyncadd.remote.s32 $0x1  }
0xbe: {  	_ =	sfence.sel $0xFFFF  }
0xbf: {  	[dreg:$0x0] =	wrdreg $0xFFFFFFFF;
	(pc) =	sbr.abs _section_cstart, $3  }
0xc0: {  	[dreg:$0x1] =	wrdreg $0xFFFFFFFF  }
0xc1: {  	_ =	task.clear_ibuf [dreg:s7], $0x2FFFF;
	_ =	strace $0x9FFFFFFF  }
0xc2: {  	(tm) =	ssettm $0x7FFFFFFF  }
0xc3: {  	_ =	shalt  }
tec
execute0_lowered:
.L_overlay_start_1:
0x0: {  	(tag) =	ssettag $0x1  }
0x1: {  	s4 =	rddreg [dreg:$0x0]  }
0x2: {  	s5 =	rddreg [dreg:$0x1]  }
0x3: {  	s2 =	srdreg.scid;
	s0 =	stileid.u32  }
0x4: {  	s11 =	simm.s32 $0x680;
	s12 =	simm.s32 $0x0;
	s3 =	sand.u32 $0x1, s2  }
0x5: {  	s2 =	simm.s32 $0x0;
	s6 =	sshll.u32 s0, $0xA;
	s7 =	sshll.u32 s3, $0x9  }
0x6: {  	[smem:$0x7FF] =	sst s2;
	s8 =	ssub.s32 $0x2, s3;
	s3 =	sadd.s32 $0xE00, s4  }
0x7: {  	s6 =	sor.u32 s7, s6;
	_ =	strace $0x80000047;
	s10 =	sshrl.u32 s8, $0x1  }
0x8: {  	s7 =	sshrl.u32 s6, $0x3;
	s6 =	sshll.u32 s6, $0x4;
	s8 =	ssub.s32 s8, s10  }
0x9: {  	s10 =	simm.s32 $0x1;
	s9 =	sadd.s32 s7, s4;
	s6 =	sadd.s32 s6, s4  }
0xa: {  	s5 =	sadd.s32 s5, s7;
	s7 =	smax.u32 s8, $0x1;
	s8 =	simm.s32 $0x2  }
0xb: {  	s4 =	sadd.s32 $0x600, s9;
	s6 =	sadd.s32 $0xF43200, s6;
	s9 =	simm.s32 $0x200  }
.LBB2_1:
0xc: {  	[tilespmem:s2], [sflag:$0x2] =	stream.linear.gather [hbm4b:s4+s2], $0x200, $0x38;
	[tilespmem:$0x10680] =	vst v63  }
0xd: {  	_ =	swait.ge [sflag:s8], $0x200  }
0xe: {  	[sflag:s8] =	ssyncset.done $0x0  }
0xf: {  	[sflag:s8] =	ssyncadd.s32 $0xFFFFFE00  }
0x10: {  	[tilespmem:s9], [sflag:$0x2] =	stream.linear.gather [hbm4b:s5+s2], $0x200, $0x38;
	[tilespmem:$0x10680] =	vst v63  }
0x11: {  	_ =	swait.ge [sflag:s8], $0x200  }
0x12: {  	[sflag:s8] =	ssyncset.done $0x0  }
0x13: {  	[sflag:s8] =	ssyncadd.s32 $0xFFFFFE00  }
0x14: {  	v0 =	vld [tilespmem:$0x0]  }
0x15: {  	v1 =	vld [tilespmem:$0x200]  }
0x16: {  	v2 =	vld [tilespmem:$0x10]  }
0x17: {  	v3 =	vld [tilespmem:$0x210]  }
0x18: {  	v4 =	vld [tilespmem:$0x20]  }
0x19: {  	v5 =	vld [tilespmem:$0x220]  }
0x1a: {  	v6 =	vld [tilespmem:$0x30]  }
0x1b: {  	v7 =	vld [tilespmem:$0x230]  }
0x1c: {  	v8 =	vld [tilespmem:$0x40]  }
0x1d: {  	v9 =	vld [tilespmem:$0x240]  }
0x1e: {  	v10 =	vld [tilespmem:$0x50]  }
0x1f: {  	v11 =	vld [tilespmem:$0x250]  }
0x20: {  	v13 =	vld [tilespmem:$0x260]  }
0x21: {  	v15 =	vld [tilespmem:$0x270]  }
0x22: {  	v17 =	vld [tilespmem:$0x280]  }
0x23: {  	v19 =	vld [tilespmem:$0x290]  }
0x24: {  	v21 =	vld [tilespmem:$0x2A0]  }
0x25: {  	v23 =	vld [tilespmem:$0x2C0]  }
0x26: {  	v45 =	vld [tilespmem:$0x2D0]  }
0x27: {  	v46 =	vld [tilespmem:$0x2E0]  }
0x28: {  	v25 =	vld [tilespmem:$0x2F0]  }
0x29: {  	v52 =	vld [tilespmem:$0x310];
	v1 =	vmul.f32 $1.000000000e+03, v1;
	v3 =	vmul.f32 $1.000000000e+03, v3  }
0x2a: {  	v27 =	vld [tilespmem:$0x320];
	v7 =	vmul.f32 $1.000000000e+03, v7;
	v44 =	vmul.f32 $1.000000000e+03, v9  }
0x2b: {  	v57 =	vld [tilespmem:$0x330];
	v11 =	vmul.f32 $1.000000000e+03, v11;
	v47 =	vmul.f32 $1.000000000e+03, v13  }
0x2c: {  	v58 =	vld [tilespmem:$0x340];
	v15 =	vmul.f32 $1.000000000e+03, v15;
	v50 =	vmul.f32 $1.000000000e+03, v17  }
0x2d: {  	v35 =	vld [tilespmem:$0x380];
	v19 =	vmul.f32 $1.000000000e+03, v19;
	v53 =	vmul.f32 $1.000000000e+03, v21  }
0x2e: {  	v12 =	vld [tilespmem:$0x60];
	v56 =	vmul.f32 $1.000000000e+03, v23;
	v9 =	vmul.f32 $1.000000000e+03, v45  }
0x2f: {  	v14 =	vld [tilespmem:$0x70];
	v59 =	vmul.f32 $1.000000000e+03, v46;
	v61 =	vmul.f32 $1.000000000e+03, v25  }
0x30: {  	v16 =	vld [tilespmem:$0x80];
	v29 =	vmul.f32 $1.000000000e+03, v52;
	v32 =	vmul.f32 $1.000000000e+03, v27  }
0x31: {  	v18 =	vld [tilespmem:$0x90];
	v34 =	vmul.f32 $1.000000000e+03, v57;
	v37 =	vmul.f32 $1.000000000e+03, v58;
	v0 =	vadd.f32 v1, v0  }
0x32: {  	v20 =	vld [tilespmem:$0xA0];
	v46 =	vmul.f32 $1.000000000e+03, v35;
	v2 =	vadd.f32 v3, v2;
	v6 =	vadd.f32 v7, v6  }
0x33: {  	v22 =	vld [tilespmem:$0xB0];
	v3 =	vmul.f32 $1.000000000e+03, v5;
	v7 =	vadd.f32 v44, v8;
	v10 =	vadd.f32 v11, v10  }
0x34: {  	v42 =	vld [tilespmem:$0xC0];
	v11 =	vadd.f32 v47, v12;
	v14 =	vadd.f32 v15, v14;
	v0 =	vtrunc.f32 v0  }
0x35: {  	v24 =	vld [tilespmem:$0xE0];
	v15 =	vadd.f32 v50, v16;
	v2 =	vtrunc.f32 v2;
	v6 =	vtrunc.f32 v6  }
0x36: {  	v48 =	vld [tilespmem:$0xF0];
	v18 =	vadd.f32 v19, v18;
	v7 =	vtrunc.f32 v7;
	v10 =	vtrunc.f32 v10  }
0x37: {  	v26 =	vld [tilespmem:$0x110];
	v19 =	vadd.f32 v53, v20;
	v11 =	vtrunc.f32 v11;
	v14 =	vtrunc.f32 v14  }
0x38: {  	v54 =	vld [tilespmem:$0x120];
	v15 =	vtrunc.f32 v15;
	v18 =	vtrunc.f32 v18  }
0x39: {  	v55 =	vld [tilespmem:$0x130];
	v19 =	vtrunc.f32 v19;
	v0 =	vcvt.f32.s32 v0  }
0x3a: {  	v31 =	vld [tilespmem:$0x370];
	v2 =	vcvt.f32.s32 v2;
	v6 =	vcvt.f32.s32 v6  }
0x3b: {  	v1 =	vld [tilespmem:$0x2B0];
	v5 =	vadd.f32 v56, v42;
	v7 =	vcvt.f32.s32 v7;
	v10 =	vcvt.f32.s32 v10  }
0x3c: {  	v42 =	vld [tilespmem:$0x3A0];
	v3 =	vadd.f32 v3, v4;
	v11 =	vcvt.f32.s32 v11;
	v14 =	vcvt.f32.s32 v14  }
0x3d: {  	v51 =	vld [tilespmem:$0x300];
	v15 =	vcvt.f32.s32 v15;
	v18 =	vcvt.f32.s32 v18;
	[tilespmem:$0x410] =	vst v2  }
0x3e: {  	v43 =	vld [tilespmem:$0xD0];
	v19 =	vcvt.f32.s32 v19;
	v3 =	vtrunc.f32 v3;
	[tilespmem:$0x440] =	vst v7  }
0x3f: {  	v38 =	vld [tilespmem:$0x390];
	v3 =	vcvt.f32.s32 v3;
	v2 =	vtrunc.f32 v5;
	v5 =	vadd.f32 v61, v48;
	[tilespmem:$0x450] =	vst v10  }
0x40: {  	v45 =	vld [tilespmem:$0x3B0];
	v1 =	vmul.f32 $1.000000000e+03, v1;
	[tilespmem:$0x460] =	vst v11;
	v7 =	vadd.f32 v29, v26;
	v11 =	vadd.f32 v32, v54  }
0x41: {  	v49 =	vld [tilespmem:$0x100];
	[tilespmem:$0x470] =	vst v14;
	v14 =	vadd.f32 v34, v55;
	v10 =	vmul.f32 $1.000000000e+03, v31;
	v55 =	vmul.f32 $1.000000000e+03, v42  }
0x42: {  	v30 =	vld [tilespmem:$0x170];
	v2 =	vcvt.f32.s32 v2;
	[tilespmem:$0x420] =	vst v3;
	v3 =	vadd.f32 v59, v24;
	v24 =	vmul.f32 $1.000000000e+03, v51  }
0x43: {  	v28 =	vld [tilespmem:$0x140];
	v5 =	vtrunc.f32 v5;
	v7 =	vtrunc.f32 v7  }
0x44: {  	v62 =	vld [tilespmem:$0x350];
	[tilespmem:$0x400] =	vst v0;
	v11 =	vtrunc.f32 v11;
	v40 =	vtrunc.f32 v14  }
0x45: {  	v25 =	vld [tilespmem:$0x360];
	[tilespmem:$0x430] =	vst v6;
	v1 =	vadd.f32 v1, v22;
	v51 =	vmul.f32 $1.000000000e+03, v38;
	v59 =	vmul.f32 $1.000000000e+03, v45  }
0x46: {  	v53 =	vld [tilespmem:$0x3D0];
	[tilespmem:$0x480] =	vst v15;
	v5 =	vcvt.f32.s32 v5;
	v7 =	vcvt.f32.s32 v7  }
0x47: {  	v57 =	vld [tilespmem:$0x3F0];
	v48 =	vadd.f32 v10, v30;
	[tilespmem:$0x4C0] =	vst v2;
	v2 =	vcvt.f32.s32 v40;
	v1 =	vtrunc.f32 v1  }
0x48: {  	v60 =	vld [tilespmem:$0x150];
	[tilespmem:$0x490] =	vst v18;
	v3 =	vtrunc.f32 v3;
	v6 =	vadd.f32 v24, v49;
	v0 =	vcvt.f32.s32 v1  }
0x49: {  	v63 =	vld [tilespmem:$0x160];
	[tilespmem:$0x4A0] =	vst v19;
	v1 =	vadd.f32 v9, v43;
	v3 =	vcvt.f32.s32 v3;
	v9 =	vmul.f32 $1.000000000e+03, v62  }
0x4a: {  	v56 =	vld [tilespmem:$0x3E0];
	v43 =	vmul.f32 $1.000000000e+03, v25;
	[tilespmem:$0x4F0] =	vst v5;
	v5 =	vtrunc.f32 v48  }
0x4b: {  	v33 =	vld [tilespmem:$0x180];
	[tilespmem:$0x510] =	vst v7;
	v7 =	vmul.f32 $1.000000000e+03, v53;
	v6 =	vtrunc.f32 v6  }
0x4c: {  	v36 =	vld [tilespmem:$0x190];
	[tilespmem:$0x530] =	vst v2;
	v2 =	vcvt.f32.s32 v5;
	v5 =	vmul.f32 $1.000000000e+03, v57  }
0x4d: {  	v39 =	vld [tilespmem:$0x1A0];
	v1 =	vtrunc.f32 v1;
	v6 =	vcvt.f32.s32 v6;
	[tilespmem:$0x4B0] =	vst v0  }
0x4e: {  	v49 =	vld [tilespmem:$0x3C0];
	v0 =	vcvt.f32.s32 v11;
	v8 =	vadd.f32 v9, v60;
	[tilespmem:$0x4E0] =	vst v3;
	v4 =	vadd.f32 v43, v63  }
0x4f: {  	v41 =	vadd.f32 v37, v28;
	v44 =	vld [tilespmem:$0x1B0];
	v63 =	vmul.f32 $1.000000000e+03, v56;
	v1 =	vcvt.f32.s32 v1;
	[tilespmem:$0x570] =	vst v2  }
0x50: {  	v47 =	vld [tilespmem:$0x1C0];
	v50 =	vadd.f32 v46, v33;
	v3 =	vtrunc.f32 v8;
	[tilespmem:$0x500] =	vst v6;
	v4 =	vtrunc.f32 v4  }
0x51: {  	v52 =	vld [tilespmem:$0x1D0];
	[tilespmem:$0x4D0] =	vst v1;
	v1 =	vtrunc.f32 v41;
	v3 =	vcvt.f32.s32 v3  }
0x52: {  	v54 =	vadd.f32 v51, v36;
	v60 =	vld [tilespmem:$0x1E0];
	[tilespmem:$0x520] =	vst v0;
	v0 =	vtrunc.f32 v50;
	v1 =	vcvt.f32.s32 v1  }
0x53: {  	v61 =	vld [tilespmem:$0x1F0];
	v58 =	vadd.f32 v55, v39;
	v4 =	vcvt.f32.s32 v4;
	[tilespmem:$0x550] =	vst v3;
	v3 =	vmul.f32 $1.000000000e+03, v49  }
0x54: {  	v62 =	vadd.f32 v59, v44;
	v0 =	vcvt.f32.s32 v0;
	[tilespmem:$0x540] =	vst v1;
	v1 =	vtrunc.f32 v54  }
0x55: {  	v6 =	vtrunc.f32 v58;
	[tilespmem:$0x560] =	vst v4;
	v1 =	vcvt.f32.s32 v1;
	v2 =	vadd.f32 v3, v47  }
0x56: {  	[tilespmem:$0x580] =	vst v0;
	v0 =	vadd.f32 v7, v52;
	v4 =	vtrunc.f32 v62;
	v3 =	vcvt.f32.s32 v6  }
0x57: {  	v4 =	vcvt.f32.s32 v4;
	[tilespmem:$0x590] =	vst v1;
	v1 =	vadd.f32 v63, v60;
	v2 =	vtrunc.f32 v2  }
0x58: {  	v0 =	vtrunc.f32 v0;
	[tilespmem:$0x5A0] =	vst v3;
	v3 =	vadd.f32 v5, v61;
	v2 =	vcvt.f32.s32 v2  }
0x59: {  	[tilespmem:$0x5B0] =	vst v4;
	v0 =	vcvt.f32.s32 v0;
	v1 =	vtrunc.f32 v1  }
0x5a: {  	[tilespmem:$0x5C0] =	vst v2;
	v1 =	vcvt.f32.s32 v1;
	v2 =	vtrunc.f32 v3  }
0x5b: {  	[tilespmem:$0x5D0] =	vst v0;
	v0 =	vcvt.f32.s32 v2  }
0x5c: {  	[tilespmem:$0x5E0] =	vst v1  }
0x5d: {  	s14 =	simm.s32 $0x400;
	[tilespmem:$0x5F0] =	vst v0  }
0x5e: {  	v0 =	vld [tilespmem:s14+$0x0];
	_ =	sdelay $0x4  }
0x5f: {  	v0 =	vshll.u32 v0, $0x4  }
0x60: {  	(v2sf) =	vpush v0, $0x0  }
0x61: {  	(v2sf) =	vpush v0, $0x1  }
0x62: {  	(v2sf) =	vpush v0, $0x2;
	_ =	sdelay $0x1  }
0x63: {  	(v2sf) =	vpush v0, $0x4;
	_ =	sdelay $0x1  }
0x64: {  	(v2sf) =	vpush v0, $0x3  }
0x65: {  	(v2sf) =	vpush v0, $0x5  }
0x66: {  	s15 =	simm.s32 $0x2000;
	s13 =	simm.s32 $0x0;
	(v2sf) =	vpush v0, $0x6  }
.LBB2_2:
0x67: {  	p0 =	sne.s32 s15, $0x3E000  }
0x68: {  	s25 =	sadd.s32 $0x700, s13;
	s19 =	sadd.s32 $0xC00, s13;
	s16 =	smov.u32 s15  }
0x69: {  	s15 =	sadd.s32 $0x2000, s15;
	s22 =	sadd.s32 $0xA00, s13;
	s17 =	sadd.s32 $0xC80, s13;
	(v2sf) =	vpush v0, $0x7  }
0x6a: {  	s24 =	sadd.s32 $0x900, s13;
	s21 =	sadd.s32 $0xA80, s13;
	s18 =	sadd.s32 $0xD00, s13  }
0x6b: {  	s26 =	sadd.s32 $0x680, s13;
	s28 =	sadd.s32 $0x880, s13;
	(v2sf) =	vpush v0, $0x8  }
0x6c: {  	s29 =	sadd.s32 $0x980, s13;
	s14 =	sadd.s32 $0x10, s14  }
0x6d: {  	s30 =	sadd.s32 $0x780, s13;
	s20 =	sadd.s32 $0xB80, s13;
	s23 =	spop (v2sf);
	(v2sf) =	vpush v0, $0x9  }
0x6e: {  	s31 =	sand.u32 $0x1FFFFFF0, s23;
	s23 =	sadd.s32 $0xB00, s13;
	s0 =	spop (v2sf)  }
0x6f: {  	s31 =	sadd.s32 s3, s31;
	s0 =	sand.u32 $0x1FFFFFF0, s0;
	s1 =	spop (v2sf);
	(v2sf) =	vpush v0, $0xA  }
0x70: {  	[tilespmem:s26], [sflag:$0x1] =	stream.linear.gather [hbm4b:s31+s2], $0x80, $0x38;
	[tilespmem:$0x10680] =	vst v63  }
0x71: {  	s0 =	sadd.s32 s3, s0;
	s26 =	sadd.s32 $0x800, s13;
	s31 =	spop (v2sf);
	(v2sf) =	vpush v0, $0xB  }
0x72: {  	[tilespmem:s25], [sflag:$0x1] =	stream.linear.gather [hbm4b:s0+s2], $0x80, $0x38;
	[tilespmem:$0x10680] =	vst v63  }
0x73: {  	s0 =	sand.u32 $0x1FFFFFF0, s1;
	s1 =	sand.u32 $0x1FFFFFF0, s31;
	s25 =	spop (v2sf);
	(v2sf) =	vpush v0, $0xC  }
0x74: {  	s0 =	sadd.s32 s3, s0;
	s25 =	sand.u32 $0x1FFFFFF0, s25;
	s31 =	spop (v2sf)  }
0x75: {  	[tilespmem:s30], [sflag:$0x1] =	stream.linear.gather [hbm4b:s0+s2], $0x80, $0x38;
	(v2sf) =	vpush v0, $0xD;
	[tilespmem:$0x10680] =	vst v63  }
0x76: {  	s0 =	sadd.s32 s3, s25;
	s25 =	sand.u32 $0x1FFFFFF0, s31;
	s30 =	spop (v2sf)  }
0x77: {  	[tilespmem:s26], [sflag:$0x1] =	stream.linear.gather [hbm4b:s0+s2], $0x80, $0x38;
	(v2sf) =	vpush v0, $0xE;
	[tilespmem:$0x10680] =	vst v63  }
0x78: {  	s0 =	sadd.s32 s3, s1;
	s1 =	sand.u32 $0x1FFFFFF0, s30;
	s26 =	spop (v2sf)  }
0x79: {  	[tilespmem:s28], [sflag:$0x1] =	stream.linear.gather [hbm4b:s0+s2], $0x80, $0x38;
	(v2sf) =	vpush v0, $0xF;
	[tilespmem:$0x10680] =	vst v63  }
0x7a: {  	s0 =	sadd.s32 s3, s25;
	s25 =	sand.u32 $0x1FFFFFF0, s26;
	s26 =	spop (v2sf)  }
0x7b: {  	[tilespmem:s24], [sflag:$0x1] =	stream.linear.gather [hbm4b:s0+s2], $0x80, $0x38;
	[tilespmem:$0x10680] =	vst v63  }
0x7c: {  	s0 =	sadd.s32 s3, s1;
	s1 =	sand.u32 $0x1FFFFFF0, s26;
	s24 =	spop (v2sf)  }
0x7d: {  	[tilespmem:s29], [sflag:$0x1] =	stream.linear.gather [hbm4b:s0+s2], $0x80, $0x38;
	[tilespmem:$0x10680] =	vst v63  }
0x7e: {  	s0 =	sadd.s32 s3, s25;
	s24 =	sand.u32 $0x1FFFFFF0, s24;
	s25 =	spop (v2sf)  }
0x7f: {  	[tilespmem:s22], [sflag:$0x1] =	stream.linear.gather [hbm4b:s0+s2], $0x80, $0x38;
	[tilespmem:$0x10680] =	vst v63  }
0x80: {  	s0 =	sadd.s32 s3, s1;
	s1 =	sand.u32 $0x1FFFFFF0, s25;
	s22 =	spop (v2sf)  }
0x81: {  	[tilespmem:s21], [sflag:$0x1] =	stream.linear.gather [hbm4b:s0+s2], $0x80, $0x38;
	[tilespmem:$0x10680] =	vst v63  }
0x82: {  	s0 =	sadd.s32 s3, s24;
	s21 =	sand.u32 $0x1FFFFFF0, s22;
	s22 =	spop (v2sf)  }
0x83: {  	[tilespmem:s23], [sflag:$0x1] =	stream.linear.gather [hbm4b:s0+s2], $0x80, $0x38;
	[tilespmem:$0x10680] =	vst v63  }
0x84: {  	s0 =	sadd.s32 s3, s1;
	s1 =	sand.u32 $0x1FFFFFF0, s22;
	s22 =	spop (v2sf)  }
0x85: {  	[tilespmem:s20], [sflag:$0x1] =	stream.linear.gather [hbm4b:s0+s2], $0x80, $0x38;
	[tilespmem:$0x10680] =	vst v63  }
0x86: {  	s0 =	sadd.s32 s3, s21;
	s20 =	sand.u32 $0x1FFFFFF0, s22;
	s21 =	spop (v2sf)  }
0x87: {  	[tilespmem:s19], [sflag:$0x1] =	stream.linear.gather [hbm4b:s0+s2], $0x80, $0x38;
	[tilespmem:$0x10680] =	vst v63  }
0x88: {  	s0 =	sadd.s32 s3, s1;
	s1 =	sand.u32 $0x1FFFFFF0, s21;
	s19 =	spop (v2sf)  }
0x89: {  	[tilespmem:s17], [sflag:$0x1] =	stream.linear.gather [hbm4b:s0+s2], $0x80, $0x38;
	[tilespmem:$0x10680] =	vst v63  }
0x8a: {  	s0 =	sadd.s32 s3, s20;
	s17 =	sand.u32 $0x1FFFFFF0, s19  }
0x8b: {  	[tilespmem:s18], [sflag:$0x1] =	stream.linear.gather [hbm4b:s0+s2], $0x80, $0x38;
	[tilespmem:$0x10680] =	vst v63  }
0x8c: {  	s1 =	sadd.s32 s3, s1;
	s0 =	sadd.s32 $0xD80, s13  }
0x8d: {  	[tilespmem:s0], [sflag:$0x1] =	stream.linear.gather [hbm4b:s1+s2], $0x80, $0x38;
	[tilespmem:$0x10680] =	vst v63  }
0x8e: {  	s0 =	sadd.s32 $0xE00, s13;
	s1 =	sadd.s32 s3, s17  }
0x8f: {  	[tilespmem:s0], [sflag:$0x1] =	stream.linear.gather [hbm4b:s1+s2], $0x80, $0x38;
	[tilespmem:$0x10680] =	vst v63  }
0x90: {  	v0 =	vld [tilespmem:s14+$0x0];
	_ =	sdelay $0x4  }
0x91: {  	v0 =	vshll.u32 v0, $0x4  }
0x92: {  	(v2sf) =	vpush v0, $0x0  }
0x93: {  	(v2sf) =	vpush v0, $0x1  }
0x94: {  	(v2sf) =	vpush v0, $0x2;
	_ =	sdelay $0x1  }
0x95: {  	(v2sf) =	vpush v0, $0x4  }
.Ltmp0:
0x96: {  	(pc) =	sbr.rel @p0 .LBB2_2-.Ltmp0, $3  }
0x97: {  	(v2sf) =	vpush v0, $0x3  }
0x98: {  	(v2sf) =	vpush v0, $0x5;
	_ =	sdelay $0x1  }
0x99: {  	s13 =	sshra.s32 s16, $0x2;
	(v2sf) =	vpush v0, $0x6  }
0x9a: {  	_ =	sdelay $0x1  }
0x9b: {  	s0 =	sadd.s32 $0x700, s13;
	s16 =	sadd.s32 $0xC00, s13  }
0x9c: {  	s1 =	sadd.s32 $0xA00, s13;
	s14 =	sadd.s32 $0xC80, s13;
	(v2sf) =	vpush v0, $0x7;
	s17 =	sadd.s32 $0x900, s13  }
0x9d: {  	s18 =	sadd.s32 $0xA80, s13;
	s15 =	sadd.s32 $0xD00, s13;
	s19 =	sadd.s32 $0x680, s13  }
0x9e: {  	s20 =	sadd.s32 $0x880, s13;
	s21 =	sadd.s32 $0x980, s13;
	(v2sf) =	vpush v0, $0x8;
	s22 =	spop (v2sf)  }
0x9f: {  	s23 =	sadd.s32 $0x780, s13;
	s22 =	sand.u32 $0x1FFFFFF0, s22;
	s24 =	spop (v2sf)  }
0xa0: {  	(v2sf) =	vpush v0, $0x9;
	s22 =	sadd.s32 s3, s22;
	s24 =	sand.u32 $0x1FFFFFF0, s24;
	s25 =	spop (v2sf)  }
0xa1: {  	[tilespmem:s19], [sflag:$0x1] =	stream.linear.gather [hbm4b:s22+s2], $0x80, $0x38;
	[tilespmem:$0x10680] =	vst v63  }
0xa2: {  	(v2sf) =	vpush v0, $0xA;
	s26 =	sadd.s32 s3, s24;
	s29 =	sand.u32 $0x1FFFFFF0, s25;
	s28 =	spop (v2sf)  }
0xa3: {  	[tilespmem:s0], [sflag:$0x1] =	stream.linear.gather [hbm4b:s26+s2], $0x80, $0x38;
	[tilespmem:$0x10680] =	vst v63  }
0xa4: {  	s19 =	sadd.s32 $0xB80, s13;
	(v2sf) =	vpush v0, $0xB;
	s22 =	sadd.s32 s3, s29;
	s30 =	spop (v2sf)  }
0xa5: {  	s0 =	sadd.s32 $0xB00, s13;
	s26 =	sadd.s32 $0x800, s13;
	s25 =	sand.u32 $0x1FFFFFF0, s30  }
0xa6: {  	(v2sf) =	vpush v0, $0xC;
	[tilespmem:s23], [sflag:$0x1] =	stream.linear.gather [hbm4b:s22+s2], $0x80, $0x38;
	[tilespmem:$0x10680] =	vst v63  }
0xa7: {  	s31 =	sand.u32 $0x1FFFFFF0, s28;
	s28 =	spop (v2sf);
	s29 =	sadd.s32 s3, s25  }
0xa8: {  	(v2sf) =	vpush v0, $0xD;
	[tilespmem:s26], [sflag:$0x1] =	stream.linear.gather [hbm4b:s29+s2], $0x80, $0x38;
	[tilespmem:$0x10680] =	vst v63  }
0xa9: {  	s22 =	sadd.s32 s3, s31;
	s23 =	sand.u32 $0x1FFFFFF0, s28;
	s30 =	spop (v2sf)  }
0xaa: {  	(v2sf) =	vpush v0, $0xE;
	[tilespmem:s20], [sflag:$0x1] =	stream.linear.gather [hbm4b:s22+s2], $0x80, $0x38;
	[tilespmem:$0x10680] =	vst v63  }
0xab: {  	s23 =	sadd.s32 s3, s23;
	s31 =	sand.u32 $0x1FFFFFF0, s30;
	s24 =	spop (v2sf)  }
0xac: {  	(v2sf) =	vpush v0, $0xF;
	[tilespmem:s17], [sflag:$0x1] =	stream.linear.gather [hbm4b:s23+s2], $0x80, $0x38;
	[tilespmem:$0x10680] =	vst v63  }
0xad: {  	s25 =	sand.u32 $0x1FFFFFF0, s24;
	s26 =	spop (v2sf);
	s20 =	sadd.s32 s3, s31  }
0xae: {  	[tilespmem:s21], [sflag:$0x1] =	stream.linear.gather [hbm4b:s20+s2], $0x80, $0x38;
	[tilespmem:$0x10680] =	vst v63  }
0xaf: {  	s28 =	sand.u32 $0x1FFFFFF0, s26;
	s17 =	sadd.s32 s3, s25;
	s29 =	spop (v2sf)  }
0xb0: {  	[tilespmem:s1], [sflag:$0x1] =	stream.linear.gather [hbm4b:s17+s2], $0x80, $0x38;
	[tilespmem:$0x10680] =	vst v63  }
0xb1: {  	s20 =	sadd.s32 s3, s28;
	s30 =	sand.u32 $0x1FFFFFF0, s29;
	s31 =	spop (v2sf)  }
0xb2: {  	[tilespmem:s18], [sflag:$0x1] =	stream.linear.gather [hbm4b:s20+s2], $0x80, $0x38;
	[tilespmem:$0x10680] =	vst v63  }
0xb3: {  	s17 =	sand.u32 $0x1FFFFFF0, s31;
	s1 =	sadd.s32 s3, s30;
	s20 =	spop (v2sf)  }
0xb4: {  	[tilespmem:s0], [sflag:$0x1] =	stream.linear.gather [hbm4b:s1+s2], $0x80, $0x38;
	[tilespmem:$0x10680] =	vst v63  }
0xb5: {  	s17 =	sadd.s32 s3, s17;
	s21 =	sand.u32 $0x1FFFFFF0, s20;
	s22 =	spop (v2sf)  }
0xb6: {  	[tilespmem:s19], [sflag:$0x1] =	stream.linear.gather [hbm4b:s17+s2], $0x80, $0x38;
	[tilespmem:$0x10680] =	vst v63  }
0xb7: {  	s0 =	sadd.s32 s3, s21;
	s1 =	sand.u32 $0x1FFFFFF0, s22;
	s23 =	spop (v2sf)  }
0xb8: {  	[tilespmem:s16], [sflag:$0x1] =	stream.linear.gather [hbm4b:s0+s2], $0x80, $0x38;
	[tilespmem:$0x10680] =	vst v63  }
0xb9: {  	s24 =	sand.u32 $0x1FFFFFF0, s23;
	s1 =	sadd.s32 s3, s1;
	s25 =	spop (v2sf)  }
0xba: {  	[tilespmem:s14], [sflag:$0x1] =	stream.linear.gather [hbm4b:s1+s2], $0x80, $0x38;
	[tilespmem:$0x10680] =	vst v63  }
0xbb: {  	s26 =	sand.u32 $0x1FFFFFF0, s25;
	s28 =	spop (v2sf);
	s0 =	sadd.s32 s3, s24  }
0xbc: {  	[tilespmem:s15], [sflag:$0x1] =	stream.linear.gather [hbm4b:s0+s2], $0x80, $0x38;
	[tilespmem:$0x10680] =	vst v63  }
0xbd: {  	s30 =	sadd.s32 $0xD80, s13;
	s29 =	sand.u32 $0x1FFFFFF0, s28;
	s1 =	sadd.s32 s3, s26  }
0xbe: {  	[tilespmem:s30], [sflag:$0x1] =	stream.linear.gather [hbm4b:s1+s2], $0x80, $0x38;
	[tilespmem:$0x10680] =	vst v63  }
0xbf: {  	s31 =	sadd.s32 $0xE00, s13;
	s0 =	sadd.s32 s3, s29  }
0xc0: {  	[tilespmem:s31], [sflag:$0x1] =	stream.linear.gather [hbm4b:s0+s2], $0x80, $0x38;
	[tilespmem:$0x10680] =	vst v63  }
0xc1: {  	s12 =	sadd.s32 $0x1, s12;
	_ =	swait.ge [sflag:s10], $0x10000  }
0xc2: {  	p0 =	sne.s32 s12, s7;
	[sflag:s10] =	ssyncset.done $0x0  }
.Ltmp1:
0xc3: {  	[sflag:s10] =	ssyncadd.s32 $0xFFFF0000;
	(pc) =	sbr.rel @p0 .LBB2_1-.Ltmp1, $4  }
0xc4: {  	[hbm4b:s6+s2] =	stream.linear.scatter [tilespmem:s11], [sflag:$0x2], $0x10000, $0x38;
	[tilespmem:$0x10680] =	vst v63  }
0xc5: {  	_ =	swait.ge [sflag:s8], $0x10000  }
0xc6: {  	[sflag:s8] =	ssyncset.done $0x0  }
0xc7: {  	[sflag:s8] =	ssyncadd.s32 $0xFFFF0000  }
0xc8: {  	_ =	sfence.sel $0x180000  }
0xc9: {  	[bflag:$0x0] =	sbarrier.arrive $0xFFFF  }
0xca: {  	_ =	strace $0x90000047  }
0xcb: {  	s0 =	stileid.u32;
	[bflag:$0x2] =	sbarrier.arrive $0xFFFF  }
0xcc: {  	p0 =	sne.s32 s0, $0x0;
	s0 =	rddreg [dreg:$0x2]  }
0xcd: {  	s0 =	sadd.s32 @!p0 $0x100000, s0  }
0xce: {  	[sflag:s0] =	ssyncadd.tile.s32 @!p0 $0x1;
	_ =	shalt  }
.Lfunc_end2:
_tile_overlayer_lowered:
.L_overlay_start_2:
0xcf: {  	(tag) =	ssettag $0x2  }
0xd0: {  	s0 =	rddreg [dreg:$0x0];
	s2 =	stileid.u32  }
0xd1: {  	s1 =	rddreg [dreg:$0x1];
	p0 =	sne.s32 s2, $0x0  }
0xd2: {  	s3 =	rddreg [dreg:$0x2];
	[bflag:$0x3] =	sbarrier.arrive $0xFFFF;
	s2 =	simm.s32 @!p0 $0x1C02  }
0xd3: {  	[timem:s3], [sflag:s2] =	dma.local @!p0 [hbm:s0], s1  }
0xd4: {  	s0 =	simm.s32 @!p0 $0x2  }
0xd5: {  	_ =	swait.ge @!p0 [sflag:s0], s1  }
0xd6: {  	s1 =	ssub.s32 @!p0 $0x0, s1;
	[sflag:s0] =	ssyncset.done @!p0 $0x0  }
0xd7: {  	[sflag:s0] =	ssyncadd.s32 @!p0 s1  }
0xd8: {  	[bflag:$0x3] =	sbarrier.arrive $0xFFFF  }
0xd9: {  	_ =	shalt  }

</sc_bundles>
